<compile_context>
chip_gen: v7x
topology: tpu7x:2x2x1
jax: 0.10.2.dev20260603
libtpu: 0.0.44.dev20260713+nightly
codegen_flags: <defaults>
</compile_context>

<pallas_src>
import functools

import jax
import jax.numpy as jnp
from jax import lax
from jax.experimental import pallas as pl
from jax.experimental.pallas import tpu as pltpu
from jax.experimental.pallas import tpu_sc as plsc

_NC = 2
_NS = 16
_L = 16

_PREC = None


@functools.partial(jax.jit, static_argnames=("half_pad", "e_pad", "hid", "chunk", "sub"))
def _seg_sum(x, src, dst, *, half_pad, e_pad, hid, chunk, sub):
    n_sub = chunk // sub
    per_tile = e_pad // _NS
    n_chunks = per_tile // chunk
    rows_t = half_pad // _NS

    mesh = plsc.VectorSubcoreMesh(core_axis_name="c", subcore_axis_name="s")

    @functools.partial(
        pl.kernel,
        out_type=jax.ShapeDtypeStruct((2 * half_pad, hid), jnp.float32),
        mesh=mesh,
        compiler_params=pltpu.CompilerParams(use_tc_tiling_on_sc=False,
                                             internal_scratch_in_bytes=0),
        scratch_types=[
            pltpu.VMEM((chunk,), jnp.int32),
            pltpu.VMEM((chunk,), jnp.int32),
            pltpu.VMEM((n_sub, sub), jnp.int32),
            pltpu.VMEM((chunk, hid), jnp.float32),
            pltpu.VMEM_SHARED((half_pad + 8, hid), jnp.float32),
            pltpu.SemaphoreType.DMA,
            pltpu.SemaphoreType.DMA,
        ],
    )
    def seg(x_hbm, src_hbm, dst_hbm, zrows_hbm, out_hbm,
            src_v, dst_v, lidx_v, rows_v, acc, gsem, ssem):
        c = lax.axis_index("c")
        s = lax.axis_index("s")
        off = c * half_pad

        pltpu.sync_copy(zrows_hbm, acc.at[pl.ds(s * rows_t, rows_t)])
        plsc.subcore_barrier()

        base0 = s * per_tile

        def chunk_body(g, carry):
            base = base0 + g * chunk
            pltpu.sync_copy(src_hbm.at[pl.ds(base, chunk)], src_v)
            pltpu.sync_copy(dst_hbm.at[pl.ds(base, chunk)], dst_v)
            gathers = [
                pltpu.async_copy(
                    x_hbm.at[src_v.at[pl.ds(j * sub, sub)]],
                    rows_v.at[pl.ds(j * sub, sub)],
                    gsem,
                )
                for j in range(n_sub)
            ]
            per_row = sub // _L
            for k in range(chunk // _L):
                d = dst_v[pl.ds(k * _L, _L)]
                l = d - off
                ok = (d >= off) & (l < half_pad)
                l = jnp.where(ok, l, half_pad)
                lidx_v[k // per_row, pl.ds((k % per_row) * _L, _L)] = l
            for cp in gathers:
                cp.wait()
            scatters = [
                pltpu.async_copy(
                    rows_v.at[pl.ds(j * sub, sub)],
                    acc.at[lidx_v.at[j]],
                    ssem,
                    add=True,
                )
                for j in range(n_sub)
            ]
            for cp in scatters:
                cp.wait()
            return carry

        lax.fori_loop(0, n_chunks, chunk_body, 0)
        plsc.subcore_barrier()

        r0 = s * rows_t
        pltpu.sync_copy(acc.at[pl.ds(r0, rows_t)],
                        out_hbm.at[pl.ds(off + r0, rows_t)])

    zrows = jnp.zeros((rows_t, hid), jnp.float32)
    return seg(x, src, dst, zrows)


def _lookup_body(ops_ref, emb_ref, wm_ref, x_ref, y_ref):
    ops = ops_ref[0, 0, :]
    p = emb_ref.shape[0]
    onehot = (ops[:, None] == lax.broadcasted_iota(jnp.int32, (ops.shape[0], p), 1)
              ).astype(jnp.float32)
    x = jnp.dot(onehot, emb_ref[...], precision=lax.Precision.HIGHEST)
    x_ref[...] = x
    y_ref[...] = jnp.dot(x, wm_ref[...], precision=_PREC)


def _gru_body(x_ref, s_ref, wz_ref, uz_ref, bz_ref, wr_ref, ur_ref,
              br_ref, wh_ref, uh_ref, bh_ref, wm_ref, o_ref, y_ref):
    x = x_ref[...]
    m = s_ref[...]
    z = jax.nn.sigmoid(jnp.dot(m, wz_ref[...], precision=_PREC)
                       + jnp.dot(x, uz_ref[...], precision=_PREC) + bz_ref[...])
    r = jax.nn.sigmoid(jnp.dot(m, wr_ref[...], precision=_PREC)
                       + jnp.dot(x, ur_ref[...], precision=_PREC) + br_ref[...])
    h = jnp.tanh(jnp.dot(m, wh_ref[...], precision=_PREC)
                 + jnp.dot(r * x, uh_ref[...], precision=_PREC) + bh_ref[...])
    xn = (1.0 - z) * x + z * h
    o_ref[...] = xn
    y_ref[...] = jnp.dot(xn, wm_ref[...], precision=_PREC)


def _dec_body(x_ref, w1_ref, b1_ref, w2_ref, b2_ref, o_ref):
    a = jax.nn.relu(jnp.dot(x_ref[...], w1_ref[...], precision=_PREC)
                    + b1_ref[...])
    o_ref[...] = jnp.dot(a, w2_ref[...], precision=_PREC) + b2_ref[...]


def _full(shape):
    return pl.BlockSpec(shape, lambda i: (0,) * len(shape))


def _rows(bn, d):
    return pl.BlockSpec((bn, d), lambda i: (i, 0))


def kernel(node_ops, edge_index, embed, W_msg, W_z, U_z, b_z, W_r, U_r, b_r,
           W_h, U_h, b_h, W1, b1, W2, b2):
    n = node_ops.shape[0]
    e = edge_index.shape[1]
    hid = embed.shape[1]
    t_steps = 3

    chunk, sub = 512, 128
    per_tile_pad = ((e // _NS) + chunk - 1) // chunk * chunk
    e_pad = per_tile_pad * _NS
    half_pad = (((n + 1) // 2) + 127) // 128 * 128

    src = edge_index[0].astype(jnp.int32)
    dst = edge_index[1].astype(jnp.int32)
    if e_pad > e:
        src = jnp.concatenate([src, jnp.zeros((e_pad - e,), jnp.int32)])
        dst = jnp.concatenate([dst, jnp.full((e_pad - e,), n, jnp.int32)])

    for bn in (5000, 2500, 2000, 1000, 500, 200, 104, 8, n):
        if n % bn == 0:
            break
    g = n // bn

    p_pad = 16
    emb_p = jnp.pad(embed, ((0, p_pad - embed.shape[0]), (0, 0)))
    ops3 = node_ops.astype(jnp.int32).reshape(g, 1, bn)
    x, y = pl.pallas_call(
        _lookup_body,
        grid=(g,),
        in_specs=[pl.BlockSpec((1, 1, bn), lambda i: (i, 0, 0)),
                  _full((p_pad, hid)), _full((hid, hid))],
        out_specs=[_rows(bn, hid), _rows(bn, hid)],
        out_shape=[jax.ShapeDtypeStruct((n, hid), jnp.float32),
                   jax.ShapeDtypeStruct((n, hid), jnp.float32)],
    )(ops3, emb_p, W_msg)

    b_z2, b_r2, b_h2 = (b.reshape(1, hid) for b in (b_z, b_r, b_h))
    gru = pl.pallas_call(
        _gru_body,
        grid=(g,),
        in_specs=[_rows(bn, hid), _rows(bn, hid)]
        + [_full((hid, hid)), _full((hid, hid)), _full((1, hid)),
           _full((hid, hid)), _full((hid, hid)), _full((1, hid)),
           _full((hid, hid)), _full((hid, hid)), _full((1, hid)),
           _full((hid, hid))],
        out_specs=[_rows(bn, hid), _rows(bn, hid)],
        out_shape=[jax.ShapeDtypeStruct((n, hid), jnp.float32),
                   jax.ShapeDtypeStruct((n, hid), jnp.float32)],
    )

    for _ in range(t_steps):
        s = _seg_sum(y, src, dst, half_pad=half_pad, e_pad=e_pad, hid=hid,
                     chunk=chunk, sub=sub)
        x, y = gru(x, s, W_z, U_z, b_z2, W_r, U_r, b_r2,
                   W_h, U_h, b_h2, W_msg)

    d2 = W2.shape[1]
    out = pl.pallas_call(
        _dec_body,
        grid=(g,),
        in_specs=[_rows(bn, hid), _full((hid, 2 * hid)),
                  _full((1, 2 * hid)), _full((2 * hid, d2)),
                  _full((1, d2))],
        out_specs=_rows(bn, d2),
        out_shape=jax.ShapeDtypeStruct((n, d2), jnp.float32),
    )(x, W1, b1.reshape(1, 2 * hid), W2, b2.reshape(1, d2))
    return out

# --- scband reference (transcript-rebuilt; emitter-appended) ---
"""Pipeline reference for scband-ghn-73521250173571 (READ-ONLY COPY).

The authoritative reference and input builder live on the scoring server;
editing this copy changes nothing except your own understanding.
"""

import jax, jax.numpy as jnp
import numpy as np

N = 100000
E = 1600000
HID = 32
NUM_PRIM = 15
MAX_CH = 64
T = 3


def setup_inputs(seed: int = 0) -> dict:
    key = jax.random.key(seed)
    ks = jax.random.split(key, 20)
    inp = {}
    inp['node_ops'] = jax.random.randint(ks[0], (N,), 0, NUM_PRIM, dtype=jnp.int64 if jax.config.jax_enable_x64 else jnp.int32)
    inp['edge_index'] = jax.random.randint(ks[1], (2, E), 0, N, dtype=jnp.int64 if jax.config.jax_enable_x64 else jnp.int32)
    s = 1.0 / np.sqrt(HID)
    inp['embed'] = jax.random.normal(ks[2], (NUM_PRIM, HID), dtype=jnp.float32)
    inp['W_msg'] = jax.random.normal(ks[3], (HID, HID), dtype=jnp.float32) * s
    inp['W_z'] = jax.random.normal(ks[4], (HID, HID), dtype=jnp.float32) * s
    inp['U_z'] = jax.random.normal(ks[5], (HID, HID), dtype=jnp.float32) * s
    inp['b_z'] = jnp.zeros((HID,), dtype=jnp.float32)
    inp['W_r'] = jax.random.normal(ks[6], (HID, HID), dtype=jnp.float32) * s
    inp['U_r'] = jax.random.normal(ks[7], (HID, HID), dtype=jnp.float32) * s
    inp['b_r'] = jnp.zeros((HID,), dtype=jnp.float32)
    inp['W_h'] = jax.random.normal(ks[8], (HID, HID), dtype=jnp.float32) * s
    inp['U_h'] = jax.random.normal(ks[9], (HID, HID), dtype=jnp.float32) * s
    inp['b_h'] = jnp.zeros((HID,), dtype=jnp.float32)
    inp['W1'] = jax.random.normal(ks[10], (HID, 2 * HID), dtype=jnp.float32) * s
    inp['b1'] = jnp.zeros((2 * HID,), dtype=jnp.float32)
    inp['W2'] = jax.random.normal(ks[11], (2 * HID, 2 * MAX_CH), dtype=jnp.float32) * (1.0 / np.sqrt(2 * HID))
    inp['b2'] = jnp.zeros((2 * MAX_CH,), dtype=jnp.float32)
    return inp


def reference(node_ops, edge_index, embed, W_msg, W_z, U_z, b_z, W_r, U_r, b_r, W_h, U_h, b_h, W1, b1, W2, b2):
    # node embedding lookup (GHN.embed)
    x = jnp.take(embed, node_ops, axis=0)  # [N, HID]
    src = edge_index[0]
    dst = edge_index[1]
    # GatedGNN propagation: message passing along edges + GRU-style gated update
    for _ in range(T):
        msg_e = jnp.take(x, src, axis=0) @ W_msg          # [E, HID] gather + matmul
        m = jax.ops.segment_sum(msg_e, dst, num_segments=N)  # scatter-add to dst nodes
        z = jax.nn.sigmoid(m @ W_z + x @ U_z + b_z)
        r = jax.nn.sigmoid(m @ W_r + x @ U_r + b_r)
        h = jnp.tanh(m @ W_h + (r * x) @ U_h + b_h)
        x = (1.0 - z) * x + z * h
    # decoder_1d MLP head: hid -> 2*hid -> 2*max_ch
    out = jax.nn.relu(x @ W1 + b1) @ W2 + b2  # [N, 2*MAX_CH]
    return out

if __name__ == "__main__":
    import jax
    _d = setup_inputs()
    print(jax.jit(kernel)(*tuple(_d.values())))

</pallas_src>

<mosaic_0001>
#map = affine_map<(d0, d1) -> (0, 0)>
#map1 = affine_map<(d0, d1) -> (0)>
module attributes {stable_mosaic.version = 14 : i64} {
  func.func @seg(%arg0: i32, %arg1: i32, %arg2: memref<100000x32xf32, #tpu.memory_space<hbm>>, %arg3: memref<1605632xi32, #tpu.memory_space<hbm>>, %arg4: memref<1605632xi32, #tpu.memory_space<hbm>>, %arg5: memref<3128x32xf32, #tpu.memory_space<hbm>>, %arg6: memref<100096x32xf32, #tpu.memory_space<hbm>>, %arg7: memref<512xi32, #tpu.memory_space<vmem>>, %arg8: memref<512xi32, #tpu.memory_space<vmem>>, %arg9: memref<4x128xi32, #tpu.memory_space<vmem>>, %arg10: memref<512x32xf32, #tpu.memory_space<vmem>>, %arg11: memref<50056x32xf32, #tpu.memory_space<vmem_shared>>, %arg12: memref<!tpu.dma_semaphore, #tpu.memory_space<semaphore_mem>>, %arg13: memref<!tpu.dma_semaphore, #tpu.memory_space<semaphore_mem>>) attributes {dimension_semantics = [#tpu.dimension_semantics<core_parallel>, #tpu.dimension_semantics<subcore_parallel>], iteration_bounds = array<i64: 2, 16>, scalar_prefetch = 0 : i64, scratch_operands = 7 : i64, tpu.core_type = #tpu.core_type<sc_vector_subcore>, window_params = [{transform_indices = #map}, {transform_indices = #map1}, {transform_indices = #map1}, {transform_indices = #map}, {transform_indices = #map}]} {
    %mul3A = arith.constant 50048 : i32
    %mul3A_0 = arith.muli %arg0, %mul3A : i32
    %mul3A_1 = arith.constant 3128 : i32
    %mul3A_2 = arith.muli %arg1, %mul3A_1 : i32
    "tpu.region"() ({
      %run_scoped3A = tpu.sem_alloc : memref<!tpu.dma_semaphore, #tpu.memory_space<semaphore_mem>>
      %dma_start3A = arith.constant 0 : i32
      %dma_start3A_13 = tpu.memref_slice %arg11[%mul3A_2, %dma_start3A] : memref<50056x32xf32, #tpu.memory_space<vmem_shared>> -> memref<3128x32xf32, #tpu.memory_space<vmem_shared>>
      tpu.enqueue_dma source(%arg5 : memref<3128x32xf32, #tpu.memory_space<hbm>>) target(%dma_start3A_13 : memref<3128x32xf32, #tpu.memory_space<vmem_shared>>) target_semaphore(%run_scoped3A : memref<!tpu.dma_semaphore, #tpu.memory_space<semaphore_mem>>)
      %dma_wait3A = arith.constant 0 : i32
      %dma_wait3A_14 = tpu.memref_slice %arg11[%mul3A_2, %dma_wait3A] : memref<50056x32xf32, #tpu.memory_space<vmem_shared>> -> memref<3128x32xf32, #tpu.memory_space<vmem_shared>>
      tpu.wait_dma2 semaphore(%run_scoped3A : memref<!tpu.dma_semaphore, #tpu.memory_space<semaphore_mem>>) src(%arg5 : memref<3128x32xf32, #tpu.memory_space<hbm>>) dst(%dma_wait3A_14 : memref<3128x32xf32, #tpu.memory_space<vmem_shared>>)
      tpu.yield
    }) : () -> ()
    %barrier3A = arith.constant 0 : index
    tpu.barrier barrier_id(%barrier3A)
    %mul3A_3 = arith.constant 100352 : i32
    %mul3A_4 = arith.muli %arg1, %mul3A_3 : i32
    %scan3A = arith.constant 0 : i32
    %scan3A_5 = arith.constant 0 : i32
    %scan3A_6 = arith.constant 196 : i32
    %scan3A_7 = arith.addi %scan3A_5, %scan3A_6 : i32
    %scan3A_8 = arith.constant 1 : i32
    scf.for %scan3A_13 = %scan3A_5 to %scan3A_7 step %scan3A_8  : i32 {
      %mul3A_14 = arith.constant 512 : i32
      %mul3A_15 = arith.muli %scan3A_13, %mul3A_14 : i32
      %add3A_16 = arith.addi %mul3A_4, %mul3A_15 : i32
      "tpu.region"() ({
        %run_scoped3A = tpu.sem_alloc : memref<!tpu.dma_semaphore, #tpu.memory_space<semaphore_mem>>
        %dma_start3A_790 = tpu.memref_slice %arg3[%add3A_16] : memref<1605632xi32, #tpu.memory_space<hbm>> -> memref<512xi32, #tpu.memory_space<hbm>>
        %dma_start3A_791 = tpu.memref_slice %arg3[%add3A_16] : memref<1605632xi32, #tpu.memory_space<hbm>> -> memref<512xi32, #tpu.memory_space<hbm>>
        tpu.enqueue_dma source(%dma_start3A_791 : memref<512xi32, #tpu.memory_space<hbm>>) target(%arg7 : memref<512xi32, #tpu.memory_space<vmem>>) target_semaphore(%run_scoped3A : memref<!tpu.dma_semaphore, #tpu.memory_space<semaphore_mem>>)
        %dma_wait3A_792 = tpu.memref_slice %arg3[%add3A_16] : memref<1605632xi32, #tpu.memory_space<hbm>> -> memref<512xi32, #tpu.memory_space<hbm>>
        %dma_wait3A_793 = tpu.memref_slice %arg3[%add3A_16] : memref<1605632xi32, #tpu.memory_space<hbm>> -> memref<512xi32, #tpu.memory_space<hbm>>
        tpu.wait_dma2 semaphore(%run_scoped3A : memref<!tpu.dma_semaphore, #tpu.memory_space<semaphore_mem>>) src(%dma_wait3A_793 : memref<512xi32, #tpu.memory_space<hbm>>) dst(%arg7 : memref<512xi32, #tpu.memory_space<vmem>>)
        tpu.yield
      }) : () -> ()
      "tpu.region"() ({
        %run_scoped3A = tpu.sem_alloc : memref<!tpu.dma_semaphore, #tpu.memory_space<semaphore_mem>>
        %dma_start3A_790 = tpu.memref_slice %arg4[%add3A_16] : memref<1605632xi32, #tpu.memory_space<hbm>> -> memref<512xi32, #tpu.memory_space<hbm>>
        %dma_start3A_791 = tpu.memref_slice %arg4[%add3A_16] : memref<1605632xi32, #tpu.memory_space<hbm>> -> memref<512xi32, #tpu.memory_space<hbm>>
        tpu.enqueue_dma source(%dma_start3A_791 : memref<512xi32, #tpu.memory_space<hbm>>) target(%arg8 : memref<512xi32, #tpu.memory_space<vmem>>) target_semaphore(%run_scoped3A : memref<!tpu.dma_semaphore, #tpu.memory_space<semaphore_mem>>)
        %dma_wait3A_792 = tpu.memref_slice %arg4[%add3A_16] : memref<1605632xi32, #tpu.memory_space<hbm>> -> memref<512xi32, #tpu.memory_space<hbm>>
        %dma_wait3A_793 = tpu.memref_slice %arg4[%add3A_16] : memref<1605632xi32, #tpu.memory_space<hbm>> -> memref<512xi32, #tpu.memory_space<hbm>>
        tpu.wait_dma2 semaphore(%run_scoped3A : memref<!tpu.dma_semaphore, #tpu.memory_space<semaphore_mem>>) src(%dma_wait3A_793 : memref<512xi32, #tpu.memory_space<hbm>>) dst(%arg8 : memref<512xi32, #tpu.memory_space<vmem>>)
        tpu.yield
      }) : () -> ()
      %dma_start3A = arith.constant 0 : i32
      %dma_start3A_17 = arith.constant 0 : i32
      %dma_start3A_18 = tpu.memref_slice %arg10[%dma_start3A, %dma_start3A_17] : memref<512x32xf32, #tpu.memory_space<vmem>> -> memref<128x32xf32, #tpu.memory_space<vmem>>
      %dma_start3A_19 = arith.constant 0 : i32
      %dma_start3A_20 = tpu.memref_slice %arg7[%dma_start3A_19] : memref<512xi32, #tpu.memory_space<vmem>> -> memref<128xi32, #tpu.memory_space<vmem>>
      %dma_start3A_21 = arith.constant 0 : i32
      %dma_start3A_22 = arith.constant 0 : i32
      %dma_start3A_23 = tpu.memref_slice %arg2[%dma_start3A_21, %dma_start3A_22] : memref<100000x32xf32, #tpu.memory_space<hbm>> -> memref<100000x32xf32, #tpu.memory_space<hbm>>
      tpu.enqueue_indirect_dma source(%dma_start3A_23 : memref<100000x32xf32, #tpu.memory_space<hbm>>) target(%dma_start3A_18 : memref<128x32xf32, #tpu.memory_space<vmem>>) offsets(%dma_start3A_20 : memref<128xi32, #tpu.memory_space<vmem>>) semaphore(%arg12 : memref<!tpu.dma_semaphore, #tpu.memory_space<semaphore_mem>>)
      %dma_start3A_24 = arith.constant 128 : i32
      %dma_start3A_25 = arith.constant 0 : i32
      %dma_start3A_26 = tpu.memref_slice %arg10[%dma_start3A_24, %dma_start3A_25] : memref<512x32xf32, #tpu.memory_space<vmem>> -> memref<128x32xf32, #tpu.memory_space<vmem>>
      %dma_start3A_27 = arith.constant 128 : i32
      %dma_start3A_28 = tpu.memref_slice %arg7[%dma_start3A_27] : memref<512xi32, #tpu.memory_space<vmem>> -> memref<128xi32, #tpu.memory_space<vmem>>
      %dma_start3A_29 = arith.constant 0 : i32
      %dma_start3A_30 = arith.constant 0 : i32
      %dma_start3A_31 = tpu.memref_slice %arg2[%dma_start3A_29, %dma_start3A_30] : memref<100000x32xf32, #tpu.memory_space<hbm>> -> memref<100000x32xf32, #tpu.memory_space<hbm>>
      tpu.enqueue_indirect_dma source(%dma_start3A_31 : memref<100000x32xf32, #tpu.memory_space<hbm>>) target(%dma_start3A_26 : memref<128x32xf32, #tpu.memory_space<vmem>>) offsets(%dma_start3A_28 : memref<128xi32, #tpu.memory_space<vmem>>) semaphore(%arg12 : memref<!tpu.dma_semaphore, #tpu.memory_space<semaphore_mem>>)
      %dma_start3A_32 = arith.constant 256 : i32
      %dma_start3A_33 = arith.constant 0 : i32
      %dma_start3A_34 = tpu.memref_slice %arg10[%dma_start3A_32, %dma_start3A_33] : memref<512x32xf32, #tpu.memory_space<vmem>> -> memref<128x32xf32, #tpu.memory_space<vmem>>
      %dma_start3A_35 = arith.constant 256 : i32
      %dma_start3A_36 = tpu.memref_slice %arg7[%dma_start3A_35] : memref<512xi32, #tpu.memory_space<vmem>> -> memref<128xi32, #tpu.memory_space<vmem>>
      %dma_start3A_37 = arith.constant 0 : i32
      %dma_start3A_38 = arith.constant 0 : i32
      %dma_start3A_39 = tpu.memref_slice %arg2[%dma_start3A_37, %dma_start3A_38] : memref<100000x32xf32, #tpu.memory_space<hbm>> -> memref<100000x32xf32, #tpu.memory_space<hbm>>
      tpu.enqueue_indirect_dma source(%dma_start3A_39 : memref<100000x32xf32, #tpu.memory_space<hbm>>) target(%dma_start3A_34 : memref<128x32xf32, #tpu.memory_space<vmem>>) offsets(%dma_start3A_36 : memref<128xi32, #tpu.memory_space<vmem>>) semaphore(%arg12 : memref<!tpu.dma_semaphore, #tpu.memory_space<semaphore_mem>>)
      %dma_start3A_40 = arith.constant 384 : i32
      %dma_start3A_41 = arith.constant 0 : i32
      %dma_start3A_42 = tpu.memref_slice %arg10[%dma_start3A_40, %dma_start3A_41] : memref<512x32xf32, #tpu.memory_space<vmem>> -> memref<128x32xf32, #tpu.memory_space<vmem>>
      %dma_start3A_43 = arith.constant 384 : i32
      %dma_start3A_44 = tpu.memref_slice %arg7[%dma_start3A_43] : memref<512xi32, #tpu.memory_space<vmem>> -> memref<128xi32, #tpu.memory_space<vmem>>
      %dma_start3A_45 = arith.constant 0 : i32
      %dma_start3A_46 = arith.constant 0 : i32
      %dma_start3A_47 = tpu.memref_slice %arg2[%dma_start3A_45, %dma_start3A_46] : memref<100000x32xf32, #tpu.memory_space<hbm>> -> memref<100000x32xf32, #tpu.memory_space<hbm>>
      tpu.enqueue_indirect_dma source(%dma_start3A_47 : memref<100000x32xf32, #tpu.memory_space<hbm>>) target(%dma_start3A_42 : memref<128x32xf32, #tpu.memory_space<vmem>>) offsets(%dma_start3A_44 : memref<128xi32, #tpu.memory_space<vmem>>) semaphore(%arg12 : memref<!tpu.dma_semaphore, #tpu.memory_space<semaphore_mem>>)
      %get3A = arith.constant 0 : index
      %get3A_48 = tpu.vector_load %arg8[%get3A] {strides = array<i32>} : memref<512xi32, #tpu.memory_space<vmem>>, vector<16xi32>,
      %get3A_49 = vector.shape_cast %get3A_48 : vector<16xi32> to vector<16xi32>
      %sub3A = vector.broadcast %mul3A_0 : i32 to vector<16xi32>
      %sub3A_50 = arith.subi %get3A_49, %sub3A : vector<16xi32>
      %ge3A = vector.broadcast %mul3A_0 : i32 to vector<16xi32>
      %ge3A_51 = arith.cmpi sge, %get3A_49, %ge3A : vector<16xi32>
      %lt3A = arith.constant 50048 : i32
      %lt3A_52 = vector.broadcast %lt3A : i32 to vector<16xi32>
      %lt3A_53 = arith.cmpi slt, %sub3A_50, %lt3A_52 : vector<16xi32>
      %and3A = arith.andi %ge3A_51, %lt3A_53 : vector<16xi1>
      %jit3A = arith.constant 50048 : i32
      %broadcast_in_dim3A = vector.broadcast %jit3A : i32 to vector<16xi32>
      %select_n3A = arith.select %and3A, %sub3A_50, %broadcast_in_dim3A : vector<16xi1>, vector<16xi32>
      %swap3A = arith.constant 0 : i32
      %swap3A_54 = arith.index_cast %swap3A : i32 to index
      %swap3A_55 = arith.constant 0 : index
      %swap3A_56 = tpu.vector_load %arg9[%swap3A_54, %swap3A_55] {strides = array<i32>} : memref<4x128xi32, #tpu.memory_space<vmem>>, vector<1x16xi32>,
      %swap3A_57 = vector.shape_cast %swap3A_56 : vector<1x16xi32> to vector<16xi32>
      %swap3A_58 = vector.shape_cast %select_n3A : vector<16xi32> to vector<1x16xi32>
      tpu.vector_store %arg9[%swap3A_54, %swap3A_55], %swap3A_58 {strides = array<i32>} : memref<4x128xi32, #tpu.memory_space<vmem>>, vector<1x16xi32>,
      %get3A_59 = arith.constant 16 : index
      %get3A_60 = tpu.vector_load %arg8[%get3A_59] {strides = array<i32>} : memref<512xi32, #tpu.memory_space<vmem>>, vector<16xi32>,
      %get3A_61 = vector.shape_cast %get3A_60 : vector<16xi32> to vector<16xi32>
      %sub3A_62 = vector.broadcast %mul3A_0 : i32 to vector<16xi32>
      %sub3A_63 = arith.subi %get3A_61, %sub3A_62 : vector<16xi32>
      %ge3A_64 = vector.broadcast %mul3A_0 : i32 to vector<16xi32>
      %ge3A_65 = arith.cmpi sge, %get3A_61, %ge3A_64 : vector<16xi32>
      %lt3A_66 = arith.constant 50048 : i32
      %lt3A_67 = vector.broadcast %lt3A_66 : i32 to vector<16xi32>
      %lt3A_68 = arith.cmpi slt, %sub3A_63, %lt3A_67 : vector<16xi32>
      %and3A_69 = arith.andi %ge3A_65, %lt3A_68 : vector<16xi1>
      %jit3A_70 = arith.constant 50048 : i32
      %broadcast_in_dim3A_71 = vector.broadcast %jit3A_70 : i32 to vector<16xi32>
      %select_n3A_72 = arith.select %and3A_69, %sub3A_63, %broadcast_in_dim3A_71 : vector<16xi1>, vector<16xi32>
      %swap3A_73 = arith.constant 0 : i32
      %swap3A_74 = arith.index_cast %swap3A_73 : i32 to index
      %swap3A_75 = arith.constant 16 : index
      %swap3A_76 = tpu.vector_load %arg9[%swap3A_74, %swap3A_75] {strides = array<i32>} : memref<4x128xi32, #tpu.memory_space<vmem>>, vector<1x16xi32>,
      %swap3A_77 = vector.shape_cast %swap3A_76 : vector<1x16xi32> to vector<16xi32>
      %swap3A_78 = vector.shape_cast %select_n3A_72 : vector<16xi32> to vector<1x16xi32>
      tpu.vector_store %arg9[%swap3A_74, %swap3A_75], %swap3A_78 {strides = array<i32>} : memref<4x128xi32, #tpu.memory_space<vmem>>, vector<1x16xi32>,
      %get3A_79 = arith.constant 32 : index
      %get3A_80 = tpu.vector_load %arg8[%get3A_79] {strides = array<i32>} : memref<512xi32, #tpu.memory_space<vmem>>, vector<16xi32>,
      %get3A_81 = vector.shape_cast %get3A_80 : vector<16xi32> to vector<16xi32>
      %sub3A_82 = vector.broadcast %mul3A_0 : i32 to vector<16xi32>
      %sub3A_83 = arith.subi %get3A_81, %sub3A_82 : vector<16xi32>
      %ge3A_84 = vector.broadcast %mul3A_0 : i32 to vector<16xi32>
      %ge3A_85 = arith.cmpi sge, %get3A_81, %ge3A_84 : vector<16xi32>
      %lt3A_86 = arith.constant 50048 : i32
      %lt3A_87 = vector.broadcast %lt3A_86 : i32 to vector<16xi32>
      %lt3A_88 = arith.cmpi slt, %sub3A_83, %lt3A_87 : vector<16xi32>
      %and3A_89 = arith.andi %ge3A_85, %lt3A_88 : vector<16xi1>
      %jit3A_90 = arith.constant 50048 : i32
      %broadcast_in_dim3A_91 = vector.broadcast %jit3A_90 : i32 to vector<16xi32>
      %select_n3A_92 = arith.select %and3A_89, %sub3A_83, %broadcast_in_dim3A_91 : vector<16xi1>, vector<16xi32>
      %swap3A_93 = arith.constant 0 : i32
      %swap3A_94 = arith.index_cast %swap3A_93 : i32 to index
      %swap3A_95 = arith.constant 32 : index
      %swap3A_96 = tpu.vector_load %arg9[%swap3A_94, %swap3A_95] {strides = array<i32>} : memref<4x128xi32, #tpu.memory_space<vmem>>, vector<1x16xi32>,
      %swap3A_97 = vector.shape_cast %swap3A_96 : vector<1x16xi32> to vector<16xi32>
      %swap3A_98 = vector.shape_cast %select_n3A_92 : vector<16xi32> to vector<1x16xi32>
      tpu.vector_store %arg9[%swap3A_94, %swap3A_95], %swap3A_98 {strides = array<i32>} : memref<4x128xi32, #tpu.memory_space<vmem>>, vector<1x16xi32>,
      %get3A_99 = arith.constant 48 : index
      %get3A_100 = tpu.vector_load %arg8[%get3A_99] {strides = array<i32>} : memref<512xi32, #tpu.memory_space<vmem>>, vector<16xi32>,
      %get3A_101 = vector.shape_cast %get3A_100 : vector<16xi32> to vector<16xi32>
      %sub3A_102 = vector.broadcast %mul3A_0 : i32 to vector<16xi32>
      %sub3A_103 = arith.subi %get3A_101, %sub3A_102 : vector<16xi32>
      %ge3A_104 = vector.broadcast %mul3A_0 : i32 to vector<16xi32>
      %ge3A_105 = arith.cmpi sge, %get3A_101, %ge3A_104 : vector<16xi32>
      %lt3A_106 = arith.constant 50048 : i32
      %lt3A_107 = vector.broadcast %lt3A_106 : i32 to vector<16xi32>
      %lt3A_108 = arith.cmpi slt, %sub3A_103, %lt3A_107 : vector<16xi32>
      %and3A_109 = arith.andi %ge3A_105, %lt3A_108 : vector<16xi1>
      %jit3A_110 = arith.constant 50048 : i32
      %broadcast_in_dim3A_111 = vector.broadcast %jit3A_110 : i32 to vector<16xi32>
      %select_n3A_112 = arith.select %and3A_109, %sub3A_103, %broadcast_in_dim3A_111 : vector<16xi1>, vector<16xi32>
      %swap3A_113 = arith.constant 0 : i32
      %swap3A_114 = arith.index_cast %swap3A_113 : i32 to index
      %swap3A_115 = arith.constant 48 : index
      %swap3A_116 = tpu.vector_load %arg9[%swap3A_114, %swap3A_115] {strides = array<i32>} : memref<4x128xi32, #tpu.memory_space<vmem>>, vector<1x16xi32>,
      %swap3A_117 = vector.shape_cast %swap3A_116 : vector<1x16xi32> to vector<16xi32>
      %swap3A_118 = vector.shape_cast %select_n3A_112 : vector<16xi32> to vector<1x16xi32>
      tpu.vector_store %arg9[%swap3A_114, %swap3A_115], %swap3A_118 {strides = array<i32>} : memref<4x128xi32, #tpu.memory_space<vmem>>, vector<1x16xi32>,
      %get3A_119 = arith.constant 64 : index
      %get3A_120 = tpu.vector_load %arg8[%get3A_119] {strides = array<i32>} : memref<512xi32, #tpu.memory_space<vmem>>, vector<16xi32>,
      %get3A_121 = vector.shape_cast %get3A_120 : vector<16xi32> to vector<16xi32>
      %sub3A_122 = vector.broadcast %mul3A_0 : i32 to vector<16xi32>
      %sub3A_123 = arith.subi %get3A_121, %sub3A_122 : vector<16xi32>
      %ge3A_124 = vector.broadcast %mul3A_0 : i32 to vector<16xi32>
      %ge3A_125 = arith.cmpi sge, %get3A_121, %ge3A_124 : vector<16xi32>
      %lt3A_126 = arith.constant 50048 : i32
      %lt3A_127 = vector.broadcast %lt3A_126 : i32 to vector<16xi32>
      %lt3A_128 = arith.cmpi slt, %sub3A_123, %lt3A_127 : vector<16xi32>
      %and3A_129 = arith.andi %ge3A_125, %lt3A_128 : vector<16xi1>
      %jit3A_130 = arith.constant 50048 : i32
      %broadcast_in_dim3A_131 = vector.broadcast %jit3A_130 : i32 to vector<16xi32>
      %select_n3A_132 = arith.select %and3A_129, %sub3A_123, %broadcast_in_dim3A_131 : vector<16xi1>, vector<16xi32>
      %swap3A_133 = arith.constant 0 : i32
      %swap3A_134 = arith.index_cast %swap3A_133 : i32 to index
      %swap3A_135 = arith.constant 64 : index
      %swap3A_136 = tpu.vector_load %arg9[%swap3A_134, %swap3A_135] {strides = array<i32>} : memref<4x128xi32, #tpu.memory_space<vmem>>, vector<1x16xi32>,
      %swap3A_137 = vector.shape_cast %swap3A_136 : vector<1x16xi32> to vector<16xi32>
      %swap3A_138 = vector.shape_cast %select_n3A_132 : vector<16xi32> to vector<1x16xi32>
      tpu.vector_store %arg9[%swap3A_134, %swap3A_135], %swap3A_138 {strides = array<i32>} : memref<4x128xi32, #tpu.memory_space<vmem>>, vector<1x16xi32>,
      %get3A_139 = arith.constant 80 : index
      %get3A_140 = tpu.vector_load %arg8[%get3A_139] {strides = array<i32>} : memref<512xi32, #tpu.memory_space<vmem>>, vector<16xi32>,
      %get3A_141 = vector.shape_cast %get3A_140 : vector<16xi32> to vector<16xi32>
      %sub3A_142 = vector.broadcast %mul3A_0 : i32 to vector<16xi32>
      %sub3A_143 = arith.subi %get3A_141, %sub3A_142 : vector<16xi32>
      %ge3A_144 = vector.broadcast %mul3A_0 : i32 to vector<16xi32>
      %ge3A_145 = arith.cmpi sge, %get3A_141, %ge3A_144 : vector<16xi32>
      %lt3A_146 = arith.constant 50048 : i32
      %lt3A_147 = vector.broadcast %lt3A_146 : i32 to vector<16xi32>
      %lt3A_148 = arith.cmpi slt, %sub3A_143, %lt3A_147 : vector<16xi32>
      %and3A_149 = arith.andi %ge3A_145, %lt3A_148 : vector<16xi1>
      %jit3A_150 = arith.constant 50048 : i32
      %broadcast_in_dim3A_151 = vector.broadcast %jit3A_150 : i32 to vector<16xi32>
      %select_n3A_152 = arith.select %and3A_149, %sub3A_143, %broadcast_in_dim3A_151 : vector<16xi1>, vector<16xi32>
      %swap3A_153 = arith.constant 0 : i32
      %swap3A_154 = arith.index_cast %swap3A_153 : i32 to index
      %swap3A_155 = arith.constant 80 : index
      %swap3A_156 = tpu.vector_load %arg9[%swap3A_154, %swap3A_155] {strides = array<i32>} : memref<4x128xi32, #tpu.memory_space<vmem>>, vector<1x16xi32>,
      %swap3A_157 = vector.shape_cast %swap3A_156 : vector<1x16xi32> to vector<16xi32>
      %swap3A_158 = vector.shape_cast %select_n3A_152 : vector<16xi32> to vector<1x16xi32>
      tpu.vector_store %arg9[%swap3A_154, %swap3A_155], %swap3A_158 {strides = array<i32>} : memref<4x128xi32, #tpu.memory_space<vmem>>, vector<1x16xi32>,
      %get3A_159 = arith.constant 96 : index
      %get3A_160 = tpu.vector_load %arg8[%get3A_159] {strides = array<i32>} : memref<512xi32, #tpu.memory_space<vmem>>, vector<16xi32>,
      %get3A_161 = vector.shape_cast %get3A_160 : vector<16xi32> to vector<16xi32>
      %sub3A_162 = vector.broadcast %mul3A_0 : i32 to vector<16xi32>
      %sub3A_163 = arith.subi %get3A_161, %sub3A_162 : vector<16xi32>
      %ge3A_164 = vector.broadcast %mul3A_0 : i32 to vector<16xi32>
      %ge3A_165 = arith.cmpi sge, %get3A_161, %ge3A_164 : vector<16xi32>
      %lt3A_166 = arith.constant 50048 : i32
      %lt3A_167 = vector.broadcast %lt3A_166 : i32 to vector<16xi32>
      %lt3A_168 = arith.cmpi slt, %sub3A_163, %lt3A_167 : vector<16xi32>
      %and3A_169 = arith.andi %ge3A_165, %lt3A_168 : vector<16xi1>
      %jit3A_170 = arith.constant 50048 : i32
      %broadcast_in_dim3A_171 = vector.broadcast %jit3A_170 : i32 to vector<16xi32>
      %select_n3A_172 = arith.select %and3A_169, %sub3A_163, %broadcast_in_dim3A_171 : vector<16xi1>, vector<16xi32>
      %swap3A_173 = arith.constant 0 : i32
      %swap3A_174 = arith.index_cast %swap3A_173 : i32 to index
      %swap3A_175 = arith.constant 96 : index
      %swap3A_176 = tpu.vector_load %arg9[%swap3A_174, %swap3A_175] {strides = array<i32>} : memref<4x128xi32, #tpu.memory_space<vmem>>, vector<1x16xi32>,
      %swap3A_177 = vector.shape_cast %swap3A_176 : vector<1x16xi32> to vector<16xi32>
      %swap3A_178 = vector.shape_cast %select_n3A_172 : vector<16xi32> to vector<1x16xi32>
      tpu.vector_store %arg9[%swap3A_174, %swap3A_175], %swap3A_178 {strides = array<i32>} : memref<4x128xi32, #tpu.memory_space<vmem>>, vector<1x16xi32>,
      %get3A_179 = arith.constant 112 : index
      %get3A_180 = tpu.vector_load %arg8[%get3A_179] {strides = array<i32>} : memref<512xi32, #tpu.memory_space<vmem>>, vector<16xi32>,
      %get3A_181 = vector.shape_cast %get3A_180 : vector<16xi32> to vector<16xi32>
      %sub3A_182 = vector.broadcast %mul3A_0 : i32 to vector<16xi32>
      %sub3A_183 = arith.subi %get3A_181, %sub3A_182 : vector<16xi32>
      %ge3A_184 = vector.broadcast %mul3A_0 : i32 to vector<16xi32>
      %ge3A_185 = arith.cmpi sge, %get3A_181, %ge3A_184 : vector<16xi32>
      %lt3A_186 = arith.constant 50048 : i32
      %lt3A_187 = vector.broadcast %lt3A_186 : i32 to vector<16xi32>
      %lt3A_188 = arith.cmpi slt, %sub3A_183, %lt3A_187 : vector<16xi32>
      %and3A_189 = arith.andi %ge3A_185, %lt3A_188 : vector<16xi1>
      %jit3A_190 = arith.constant 50048 : i32
      %broadcast_in_dim3A_191 = vector.broadcast %jit3A_190 : i32 to vector<16xi32>
      %select_n3A_192 = arith.select %and3A_189, %sub3A_183, %broadcast_in_dim3A_191 : vector<16xi1>, vector<16xi32>
      %swap3A_193 = arith.constant 0 : i32
      %swap3A_194 = arith.index_cast %swap3A_193 : i32 to index
      %swap3A_195 = arith.constant 112 : index
      %swap3A_196 = tpu.vector_load %arg9[%swap3A_194, %swap3A_195] {strides = array<i32>} : memref<4x128xi32, #tpu.memory_space<vmem>>, vector<1x16xi32>,
      %swap3A_197 = vector.shape_cast %swap3A_196 : vector<1x16xi32> to vector<16xi32>
      %swap3A_198 = vector.shape_cast %select_n3A_192 : vector<16xi32> to vector<1x16xi32>
      tpu.vector_store %arg9[%swap3A_194, %swap3A_195], %swap3A_198 {strides = array<i32>} : memref<4x128xi32, #tpu.memory_space<vmem>>, vector<1x16xi32>,
      %get3A_199 = arith.constant 128 : index
      %get3A_200 = tpu.vector_load %arg8[%get3A_199] {strides = array<i32>} : memref<512xi32, #tpu.memory_space<vmem>>, vector<16xi32>,
      %get3A_201 = vector.shape_cast %get3A_200 : vector<16xi32> to vector<16xi32>
      %sub3A_202 = vector.broadcast %mul3A_0 : i32 to vector<16xi32>
      %sub3A_203 = arith.subi %get3A_201, %sub3A_202 : vector<16xi32>
      %ge3A_204 = vector.broadcast %mul3A_0 : i32 to vector<16xi32>
      %ge3A_205 = arith.cmpi sge, %get3A_201, %ge3A_204 : vector<16xi32>
      %lt3A_206 = arith.constant 50048 : i32
      %lt3A_207 = vector.broadcast %lt3A_206 : i32 to vector<16xi32>
      %lt3A_208 = arith.cmpi slt, %sub3A_203, %lt3A_207 : vector<16xi32>
      %and3A_209 = arith.andi %ge3A_205, %lt3A_208 : vector<16xi1>
      %jit3A_210 = arith.constant 50048 : i32
      %broadcast_in_dim3A_211 = vector.broadcast %jit3A_210 : i32 to vector<16xi32>
      %select_n3A_212 = arith.select %and3A_209, %sub3A_203, %broadcast_in_dim3A_211 : vector<16xi1>, vector<16xi32>
      %swap3A_213 = arith.constant 1 : i32
      %swap3A_214 = arith.index_cast %swap3A_213 : i32 to index
      %swap3A_215 = arith.constant 0 : index
      %swap3A_216 = tpu.vector_load %arg9[%swap3A_214, %swap3A_215] {strides = array<i32>} : memref<4x128xi32, #tpu.memory_space<vmem>>, vector<1x16xi32>,
      %swap3A_217 = vector.shape_cast %swap3A_216 : vector<1x16xi32> to vector<16xi32>
      %swap3A_218 = vector.shape_cast %select_n3A_212 : vector<16xi32> to vector<1x16xi32>
      tpu.vector_store %arg9[%swap3A_214, %swap3A_215], %swap3A_218 {strides = array<i32>} : memref<4x128xi32, #tpu.memory_space<vmem>>, vector<1x16xi32>,
      %get3A_219 = arith.constant 144 : index
      %get3A_220 = tpu.vector_load %arg8[%get3A_219] {strides = array<i32>} : memref<512xi32, #tpu.memory_space<vmem>>, vector<16xi32>,
      %get3A_221 = vector.shape_cast %get3A_220 : vector<16xi32> to vector<16xi32>
      %sub3A_222 = vector.broadcast %mul3A_0 : i32 to vector<16xi32>
      %sub3A_223 = arith.subi %get3A_221, %sub3A_222 : vector<16xi32>
      %ge3A_224 = vector.broadcast %mul3A_0 : i32 to vector<16xi32>
      %ge3A_225 = arith.cmpi sge, %get3A_221, %ge3A_224 : vector<16xi32>
      %lt3A_226 = arith.constant 50048 : i32
      %lt3A_227 = vector.broadcast %lt3A_226 : i32 to vector<16xi32>
      %lt3A_228 = arith.cmpi slt, %sub3A_223, %lt3A_227 : vector<16xi32>
      %and3A_229 = arith.andi %ge3A_225, %lt3A_228 : vector<16xi1>
      %jit3A_230 = arith.constant 50048 : i32
      %broadcast_in_dim3A_231 = vector.broadcast %jit3A_230 : i32 to vector<16xi32>
      %select_n3A_232 = arith.select %and3A_229, %sub3A_223, %broadcast_in_dim3A_231 : vector<16xi1>, vector<16xi32>
      %swap3A_233 = arith.constant 1 : i32
      %swap3A_234 = arith.index_cast %swap3A_233 : i32 to index
      %swap3A_235 = arith.constant 16 : index
      %swap3A_236 = tpu.vector_load %arg9[%swap3A_234, %swap3A_235] {strides = array<i32>} : memref<4x128xi32, #tpu.memory_space<vmem>>, vector<1x16xi32>,
      %swap3A_237 = vector.shape_cast %swap3A_236 : vector<1x16xi32> to vector<16xi32>
      %swap3A_238 = vector.shape_cast %select_n3A_232 : vector<16xi32> to vector<1x16xi32>
      tpu.vector_store %arg9[%swap3A_234, %swap3A_235], %swap3A_238 {strides = array<i32>} : memref<4x128xi32, #tpu.memory_space<vmem>>, vector<1x16xi32>,
      %get3A_239 = arith.constant 160 : index
      %get3A_240 = tpu.vector_load %arg8[%get3A_239] {strides = array<i32>} : memref<512xi32, #tpu.memory_space<vmem>>, vector<16xi32>,
      %get3A_241 = vector.shape_cast %get3A_240 : vector<16xi32> to vector<16xi32>
      %sub3A_242 = vector.broadcast %mul3A_0 : i32 to vector<16xi32>
      %sub3A_243 = arith.subi %get3A_241, %sub3A_242 : vector<16xi32>
      %ge3A_244 = vector.broadcast %mul3A_0 : i32 to vector<16xi32>
      %ge3A_245 = arith.cmpi sge, %get3A_241, %ge3A_244 : vector<16xi32>
      %lt3A_246 = arith.constant 50048 : i32
      %lt3A_247 = vector.broadcast %lt3A_246 : i32 to vector<16xi32>
      %lt3A_248 = arith.cmpi slt, %sub3A_243, %lt3A_247 : vector<16xi32>
      %and3A_249 = arith.andi %ge3A_245, %lt3A_248 : vector<16xi1>
      %jit3A_250 = arith.constant 50048 : i32
      %broadcast_in_dim3A_251 = vector.broadcast %jit3A_250 : i32 to vector<16xi32>
      %select_n3A_252 = arith.select %and3A_249, %sub3A_243, %broadcast_in_dim3A_251 : vector<16xi1>, vector<16xi32>
      %swap3A_253 = arith.constant 1 : i32
      %swap3A_254 = arith.index_cast %swap3A_253 : i32 to index
      %swap3A_255 = arith.constant 32 : index
      %swap3A_256 = tpu.vector_load %arg9[%swap3A_254, %swap3A_255] {strides = array<i32>} : memref<4x128xi32, #tpu.memory_space<vmem>>, vector<1x16xi32>,
      %swap3A_257 = vector.shape_cast %swap3A_256 : vector<1x16xi32> to vector<16xi32>
      %swap3A_258 = vector.shape_cast %select_n3A_252 : vector<16xi32> to vector<1x16xi32>
      tpu.vector_store %arg9[%swap3A_254, %swap3A_255], %swap3A_258 {strides = array<i32>} : memref<4x128xi32, #tpu.memory_space<vmem>>, vector<1x16xi32>,
      %get3A_259 = arith.constant 176 : index
      %get3A_260 = tpu.vector_load %arg8[%get3A_259] {strides = array<i32>} : memref<512xi32, #tpu.memory_space<vmem>>, vector<16xi32>,
      %get3A_261 = vector.shape_cast %get3A_260 : vector<16xi32> to vector<16xi32>
      %sub3A_262 = vector.broadcast %mul3A_0 : i32 to vector<16xi32>
      %sub3A_263 = arith.subi %get3A_261, %sub3A_262 : vector<16xi32>
      %ge3A_264 = vector.broadcast %mul3A_0 : i32 to vector<16xi32>
      %ge3A_265 = arith.cmpi sge, %get3A_261, %ge3A_264 : vector<16xi32>
      %lt3A_266 = arith.constant 50048 : i32
      %lt3A_267 = vector.broadcast %lt3A_266 : i32 to vector<16xi32>
      %lt3A_268 = arith.cmpi slt, %sub3A_263, %lt3A_267 : vector<16xi32>
      %and3A_269 = arith.andi %ge3A_265, %lt3A_268 : vector<16xi1>
      %jit3A_270 = arith.constant 50048 : i32
      %broadcast_in_dim3A_271 = vector.broadcast %jit3A_270 : i32 to vector<16xi32>
      %select_n3A_272 = arith.select %and3A_269, %sub3A_263, %broadcast_in_dim3A_271 : vector<16xi1>, vector<16xi32>
      %swap3A_273 = arith.constant 1 : i32
      %swap3A_274 = arith.index_cast %swap3A_273 : i32 to index
      %swap3A_275 = arith.constant 48 : index
      %swap3A_276 = tpu.vector_load %arg9[%swap3A_274, %swap3A_275] {strides = array<i32>} : memref<4x128xi32, #tpu.memory_space<vmem>>, vector<1x16xi32>,
      %swap3A_277 = vector.shape_cast %swap3A_276 : vector<1x16xi32> to vector<16xi32>
      %swap3A_278 = vector.shape_cast %select_n3A_272 : vector<16xi32> to vector<1x16xi32>
      tpu.vector_store %arg9[%swap3A_274, %swap3A_275], %swap3A_278 {strides = array<i32>} : memref<4x128xi32, #tpu.memory_space<vmem>>, vector<1x16xi32>,
      %get3A_279 = arith.constant 192 : index
      %get3A_280 = tpu.vector_load %arg8[%get3A_279] {strides = array<i32>} : memref<512xi32, #tpu.memory_space<vmem>>, vector<16xi32>,
      %get3A_281 = vector.shape_cast %get3A_280 : vector<16xi32> to vector<16xi32>
      %sub3A_282 = vector.broadcast %mul3A_0 : i32 to vector<16xi32>
      %sub3A_283 = arith.subi %get3A_281, %sub3A_282 : vector<16xi32>
      %ge3A_284 = vector.broadcast %mul3A_0 : i32 to vector<16xi32>
      %ge3A_285 = arith.cmpi sge, %get3A_281, %ge3A_284 : vector<16xi32>
      %lt3A_286 = arith.constant 50048 : i32
      %lt3A_287 = vector.broadcast %lt3A_286 : i32 to vector<16xi32>
      %lt3A_288 = arith.cmpi slt, %sub3A_283, %lt3A_287 : vector<16xi32>
      %and3A_289 = arith.andi %ge3A_285, %lt3A_288 : vector<16xi1>
      %jit3A_290 = arith.constant 50048 : i32
      %broadcast_in_dim3A_291 = vector.broadcast %jit3A_290 : i32 to vector<16xi32>
      %select_n3A_292 = arith.select %and3A_289, %sub3A_283, %broadcast_in_dim3A_291 : vector<16xi1>, vector<16xi32>
      %swap3A_293 = arith.constant 1 : i32
      %swap3A_294 = arith.index_cast %swap3A_293 : i32 to index
      %swap3A_295 = arith.constant 64 : index
      %swap3A_296 = tpu.vector_load %arg9[%swap3A_294, %swap3A_295] {strides = array<i32>} : memref<4x128xi32, #tpu.memory_space<vmem>>, vector<1x16xi32>,
      %swap3A_297 = vector.shape_cast %swap3A_296 : vector<1x16xi32> to vector<16xi32>
      %swap3A_298 = vector.shape_cast %select_n3A_292 : vector<16xi32> to vector<1x16xi32>
      tpu.vector_store %arg9[%swap3A_294, %swap3A_295], %swap3A_298 {strides = array<i32>} : memref<4x128xi32, #tpu.memory_space<vmem>>, vector<1x16xi32>,
      %get3A_299 = arith.constant 208 : index
      %get3A_300 = tpu.vector_load %arg8[%get3A_299] {strides = array<i32>} : memref<512xi32, #tpu.memory_space<vmem>>, vector<16xi32>,
      %get3A_301 = vector.shape_cast %get3A_300 : vector<16xi32> to vector<16xi32>
      %sub3A_302 = vector.broadcast %mul3A_0 : i32 to vector<16xi32>
      %sub3A_303 = arith.subi %get3A_301, %sub3A_302 : vector<16xi32>
      %ge3A_304 = vector.broadcast %mul3A_0 : i32 to vector<16xi32>
      %ge3A_305 = arith.cmpi sge, %get3A_301, %ge3A_304 : vector<16xi32>
      %lt3A_306 = arith.constant 50048 : i32
      %lt3A_307 = vector.broadcast %lt3A_306 : i32 to vector<16xi32>
      %lt3A_308 = arith.cmpi slt, %sub3A_303, %lt3A_307 : vector<16xi32>
      %and3A_309 = arith.andi %ge3A_305, %lt3A_308 : vector<16xi1>
      %jit3A_310 = arith.constant 50048 : i32
      %broadcast_in_dim3A_311 = vector.broadcast %jit3A_310 : i32 to vector<16xi32>
      %select_n3A_312 = arith.select %and3A_309, %sub3A_303, %broadcast_in_dim3A_311 : vector<16xi1>, vector<16xi32>
      %swap3A_313 = arith.constant 1 : i32
      %swap3A_314 = arith.index_cast %swap3A_313 : i32 to index
      %swap3A_315 = arith.constant 80 : index
      %swap3A_316 = tpu.vector_load %arg9[%swap3A_314, %swap3A_315] {strides = array<i32>} : memref<4x128xi32, #tpu.memory_space<vmem>>, vector<1x16xi32>,
      %swap3A_317 = vector.shape_cast %swap3A_316 : vector<1x16xi32> to vector<16xi32>
      %swap3A_318 = vector.shape_cast %select_n3A_312 : vector<16xi32> to vector<1x16xi32>
      tpu.vector_store %arg9[%swap3A_314, %swap3A_315], %swap3A_318 {strides = array<i32>} : memref<4x128xi32, #tpu.memory_space<vmem>>, vector<1x16xi32>,
      %get3A_319 = arith.constant 224 : index
      %get3A_320 = tpu.vector_load %arg8[%get3A_319] {strides = array<i32>} : memref<512xi32, #tpu.memory_space<vmem>>, vector<16xi32>,
      %get3A_321 = vector.shape_cast %get3A_320 : vector<16xi32> to vector<16xi32>
      %sub3A_322 = vector.broadcast %mul3A_0 : i32 to vector<16xi32>
      %sub3A_323 = arith.subi %get3A_321, %sub3A_322 : vector<16xi32>
      %ge3A_324 = vector.broadcast %mul3A_0 : i32 to vector<16xi32>
      %ge3A_325 = arith.cmpi sge, %get3A_321, %ge3A_324 : vector<16xi32>
      %lt3A_326 = arith.constant 50048 : i32
      %lt3A_327 = vector.broadcast %lt3A_326 : i32 to vector<16xi32>
      %lt3A_328 = arith.cmpi slt, %sub3A_323, %lt3A_327 : vector<16xi32>
      %and3A_329 = arith.andi %ge3A_325, %lt3A_328 : vector<16xi1>
      %jit3A_330 = arith.constant 50048 : i32
      %broadcast_in_dim3A_331 = vector.broadcast %jit3A_330 : i32 to vector<16xi32>
      %select_n3A_332 = arith.select %and3A_329, %sub3A_323, %broadcast_in_dim3A_331 : vector<16xi1>, vector<16xi32>
      %swap3A_333 = arith.constant 1 : i32
      %swap3A_334 = arith.index_cast %swap3A_333 : i32 to index
      %swap3A_335 = arith.constant 96 : index
      %swap3A_336 = tpu.vector_load %arg9[%swap3A_334, %swap3A_335] {strides = array<i32>} : memref<4x128xi32, #tpu.memory_space<vmem>>, vector<1x16xi32>,
      %swap3A_337 = vector.shape_cast %swap3A_336 : vector<1x16xi32> to vector<16xi32>
      %swap3A_338 = vector.shape_cast %select_n3A_332 : vector<16xi32> to vector<1x16xi32>
      tpu.vector_store %arg9[%swap3A_334, %swap3A_335], %swap3A_338 {strides = array<i32>} : memref<4x128xi32, #tpu.memory_space<vmem>>, vector<1x16xi32>,
      %get3A_339 = arith.constant 240 : index
      %get3A_340 = tpu.vector_load %arg8[%get3A_339] {strides = array<i32>} : memref<512xi32, #tpu.memory_space<vmem>>, vector<16xi32>,
      %get3A_341 = vector.shape_cast %get3A_340 : vector<16xi32> to vector<16xi32>
      %sub3A_342 = vector.broadcast %mul3A_0 : i32 to vector<16xi32>
      %sub3A_343 = arith.subi %get3A_341, %sub3A_342 : vector<16xi32>
      %ge3A_344 = vector.broadcast %mul3A_0 : i32 to vector<16xi32>
      %ge3A_345 = arith.cmpi sge, %get3A_341, %ge3A_344 : vector<16xi32>
      %lt3A_346 = arith.constant 50048 : i32
      %lt3A_347 = vector.broadcast %lt3A_346 : i32 to vector<16xi32>
      %lt3A_348 = arith.cmpi slt, %sub3A_343, %lt3A_347 : vector<16xi32>
      %and3A_349 = arith.andi %ge3A_345, %lt3A_348 : vector<16xi1>
      %jit3A_350 = arith.constant 50048 : i32
      %broadcast_in_dim3A_351 = vector.broadcast %jit3A_350 : i32 to vector<16xi32>
      %select_n3A_352 = arith.select %and3A_349, %sub3A_343, %broadcast_in_dim3A_351 : vector<16xi1>, vector<16xi32>
      %swap3A_353 = arith.constant 1 : i32
      %swap3A_354 = arith.index_cast %swap3A_353 : i32 to index
      %swap3A_355 = arith.constant 112 : index
      %swap3A_356 = tpu.vector_load %arg9[%swap3A_354, %swap3A_355] {strides = array<i32>} : memref<4x128xi32, #tpu.memory_space<vmem>>, vector<1x16xi32>,
      %swap3A_357 = vector.shape_cast %swap3A_356 : vector<1x16xi32> to vector<16xi32>
      %swap3A_358 = vector.shape_cast %select_n3A_352 : vector<16xi32> to vector<1x16xi32>
      tpu.vector_store %arg9[%swap3A_354, %swap3A_355], %swap3A_358 {strides = array<i32>} : memref<4x128xi32, #tpu.memory_space<vmem>>, vector<1x16xi32>,
      %get3A_359 = arith.constant 256 : index
      %get3A_360 = tpu.vector_load %arg8[%get3A_359] {strides = array<i32>} : memref<512xi32, #tpu.memory_space<vmem>>, vector<16xi32>,
      %get3A_361 = vector.shape_cast %get3A_360 : vector<16xi32> to vector<16xi32>
      %sub3A_362 = vector.broadcast %mul3A_0 : i32 to vector<16xi32>
      %sub3A_363 = arith.subi %get3A_361, %sub3A_362 : vector<16xi32>
      %ge3A_364 = vector.broadcast %mul3A_0 : i32 to vector<16xi32>
      %ge3A_365 = arith.cmpi sge, %get3A_361, %ge3A_364 : vector<16xi32>
      %lt3A_366 = arith.constant 50048 : i32
      %lt3A_367 = vector.broadcast %lt3A_366 : i32 to vector<16xi32>
      %lt3A_368 = arith.cmpi slt, %sub3A_363, %lt3A_367 : vector<16xi32>
      %and3A_369 = arith.andi %ge3A_365, %lt3A_368 : vector<16xi1>
      %jit3A_370 = arith.constant 50048 : i32
      %broadcast_in_dim3A_371 = vector.broadcast %jit3A_370 : i32 to vector<16xi32>
      %select_n3A_372 = arith.select %and3A_369, %sub3A_363, %broadcast_in_dim3A_371 : vector<16xi1>, vector<16xi32>
      %swap3A_373 = arith.constant 2 : i32
      %swap3A_374 = arith.index_cast %swap3A_373 : i32 to index
      %swap3A_375 = arith.constant 0 : index
      %swap3A_376 = tpu.vector_load %arg9[%swap3A_374, %swap3A_375] {strides = array<i32>} : memref<4x128xi32, #tpu.memory_space<vmem>>, vector<1x16xi32>,
      %swap3A_377 = vector.shape_cast %swap3A_376 : vector<1x16xi32> to vector<16xi32>
      %swap3A_378 = vector.shape_cast %select_n3A_372 : vector<16xi32> to vector<1x16xi32>
      tpu.vector_store %arg9[%swap3A_374, %swap3A_375], %swap3A_378 {strides = array<i32>} : memref<4x128xi32, #tpu.memory_space<vmem>>, vector<1x16xi32>,
      %get3A_379 = arith.constant 272 : index
      %get3A_380 = tpu.vector_load %arg8[%get3A_379] {strides = array<i32>} : memref<512xi32, #tpu.memory_space<vmem>>, vector<16xi32>,
      %get3A_381 = vector.shape_cast %get3A_380 : vector<16xi32> to vector<16xi32>
      %sub3A_382 = vector.broadcast %mul3A_0 : i32 to vector<16xi32>
      %sub3A_383 = arith.subi %get3A_381, %sub3A_382 : vector<16xi32>
      %ge3A_384 = vector.broadcast %mul3A_0 : i32 to vector<16xi32>
      %ge3A_385 = arith.cmpi sge, %get3A_381, %ge3A_384 : vector<16xi32>
      %lt3A_386 = arith.constant 50048 : i32
      %lt3A_387 = vector.broadcast %lt3A_386 : i32 to vector<16xi32>
      %lt3A_388 = arith.cmpi slt, %sub3A_383, %lt3A_387 : vector<16xi32>
      %and3A_389 = arith.andi %ge3A_385, %lt3A_388 : vector<16xi1>
      %jit3A_390 = arith.constant 50048 : i32
      %broadcast_in_dim3A_391 = vector.broadcast %jit3A_390 : i32 to vector<16xi32>
      %select_n3A_392 = arith.select %and3A_389, %sub3A_383, %broadcast_in_dim3A_391 : vector<16xi1>, vector<16xi32>
      %swap3A_393 = arith.constant 2 : i32
      %swap3A_394 = arith.index_cast %swap3A_393 : i32 to index
      %swap3A_395 = arith.constant 16 : index
      %swap3A_396 = tpu.vector_load %arg9[%swap3A_394, %swap3A_395] {strides = array<i32>} : memref<4x128xi32, #tpu.memory_space<vmem>>, vector<1x16xi32>,
      %swap3A_397 = vector.shape_cast %swap3A_396 : vector<1x16xi32> to vector<16xi32>
      %swap3A_398 = vector.shape_cast %select_n3A_392 : vector<16xi32> to vector<1x16xi32>
      tpu.vector_store %arg9[%swap3A_394, %swap3A_395], %swap3A_398 {strides = array<i32>} : memref<4x128xi32, #tpu.memory_space<vmem>>, vector<1x16xi32>,
      %get3A_399 = arith.constant 288 : index
      %get3A_400 = tpu.vector_load %arg8[%get3A_399] {strides = array<i32>} : memref<512xi32, #tpu.memory_space<vmem>>, vector<16xi32>,
      %get3A_401 = vector.shape_cast %get3A_400 : vector<16xi32> to vector<16xi32>
      %sub3A_402 = vector.broadcast %mul3A_0 : i32 to vector<16xi32>
      %sub3A_403 = arith.subi %get3A_401, %sub3A_402 : vector<16xi32>
      %ge3A_404 = vector.broadcast %mul3A_0 : i32 to vector<16xi32>
      %ge3A_405 = arith.cmpi sge, %get3A_401, %ge3A_404 : vector<16xi32>
      %lt3A_406 = arith.constant 50048 : i32
      %lt3A_407 = vector.broadcast %lt3A_406 : i32 to vector<16xi32>
      %lt3A_408 = arith.cmpi slt, %sub3A_403, %lt3A_407 : vector<16xi32>
      %and3A_409 = arith.andi %ge3A_405, %lt3A_408 : vector<16xi1>
      %jit3A_410 = arith.constant 50048 : i32
      %broadcast_in_dim3A_411 = vector.broadcast %jit3A_410 : i32 to vector<16xi32>
      %select_n3A_412 = arith.select %and3A_409, %sub3A_403, %broadcast_in_dim3A_411 : vector<16xi1>, vector<16xi32>
      %swap3A_413 = arith.constant 2 : i32
      %swap3A_414 = arith.index_cast %swap3A_413 : i32 to index
      %swap3A_415 = arith.constant 32 : index
      %swap3A_416 = tpu.vector_load %arg9[%swap3A_414, %swap3A_415] {strides = array<i32>} : memref<4x128xi32, #tpu.memory_space<vmem>>, vector<1x16xi32>,
      %swap3A_417 = vector.shape_cast %swap3A_416 : vector<1x16xi32> to vector<16xi32>
      %swap3A_418 = vector.shape_cast %select_n3A_412 : vector<16xi32> to vector<1x16xi32>
      tpu.vector_store %arg9[%swap3A_414, %swap3A_415], %swap3A_418 {strides = array<i32>} : memref<4x128xi32, #tpu.memory_space<vmem>>, vector<1x16xi32>,
      %get3A_419 = arith.constant 304 : index
      %get3A_420 = tpu.vector_load %arg8[%get3A_419] {strides = array<i32>} : memref<512xi32, #tpu.memory_space<vmem>>, vector<16xi32>,
      %get3A_421 = vector.shape_cast %get3A_420 : vector<16xi32> to vector<16xi32>
      %sub3A_422 = vector.broadcast %mul3A_0 : i32 to vector<16xi32>
      %sub3A_423 = arith.subi %get3A_421, %sub3A_422 : vector<16xi32>
      %ge3A_424 = vector.broadcast %mul3A_0 : i32 to vector<16xi32>
      %ge3A_425 = arith.cmpi sge, %get3A_421, %ge3A_424 : vector<16xi32>
      %lt3A_426 = arith.constant 50048 : i32
      %lt3A_427 = vector.broadcast %lt3A_426 : i32 to vector<16xi32>
      %lt3A_428 = arith.cmpi slt, %sub3A_423, %lt3A_427 : vector<16xi32>
      %and3A_429 = arith.andi %ge3A_425, %lt3A_428 : vector<16xi1>
      %jit3A_430 = arith.constant 50048 : i32
      %broadcast_in_dim3A_431 = vector.broadcast %jit3A_430 : i32 to vector<16xi32>
      %select_n3A_432 = arith.select %and3A_429, %sub3A_423, %broadcast_in_dim3A_431 : vector<16xi1>, vector<16xi32>
      %swap3A_433 = arith.constant 2 : i32
      %swap3A_434 = arith.index_cast %swap3A_433 : i32 to index
      %swap3A_435 = arith.constant 48 : index
      %swap3A_436 = tpu.vector_load %arg9[%swap3A_434, %swap3A_435] {strides = array<i32>} : memref<4x128xi32, #tpu.memory_space<vmem>>, vector<1x16xi32>,
      %swap3A_437 = vector.shape_cast %swap3A_436 : vector<1x16xi32> to vector<16xi32>
      %swap3A_438 = vector.shape_cast %select_n3A_432 : vector<16xi32> to vector<1x16xi32>
      tpu.vector_store %arg9[%swap3A_434, %swap3A_435], %swap3A_438 {strides = array<i32>} : memref<4x128xi32, #tpu.memory_space<vmem>>, vector<1x16xi32>,
      %get3A_439 = arith.constant 320 : index
      %get3A_440 = tpu.vector_load %arg8[%get3A_439] {strides = array<i32>} : memref<512xi32, #tpu.memory_space<vmem>>, vector<16xi32>,
      %get3A_441 = vector.shape_cast %get3A_440 : vector<16xi32> to vector<16xi32>
      %sub3A_442 = vector.broadcast %mul3A_0 : i32 to vector<16xi32>
      %sub3A_443 = arith.subi %get3A_441, %sub3A_442 : vector<16xi32>
      %ge3A_444 = vector.broadcast %mul3A_0 : i32 to vector<16xi32>
      %ge3A_445 = arith.cmpi sge, %get3A_441, %ge3A_444 : vector<16xi32>
      %lt3A_446 = arith.constant 50048 : i32
      %lt3A_447 = vector.broadcast %lt3A_446 : i32 to vector<16xi32>
      %lt3A_448 = arith.cmpi slt, %sub3A_443, %lt3A_447 : vector<16xi32>
      %and3A_449 = arith.andi %ge3A_445, %lt3A_448 : vector<16xi1>
      %jit3A_450 = arith.constant 50048 : i32
      %broadcast_in_dim3A_451 = vector.broadcast %jit3A_450 : i32 to vector<16xi32>
      %select_n3A_452 = arith.select %and3A_449, %sub3A_443, %broadcast_in_dim3A_451 : vector<16xi1>, vector<16xi32>
      %swap3A_453 = arith.constant 2 : i32
      %swap3A_454 = arith.index_cast %swap3A_453 : i32 to index
      %swap3A_455 = arith.constant 64 : index
      %swap3A_456 = tpu.vector_load %arg9[%swap3A_454, %swap3A_455] {strides = array<i32>} : memref<4x128xi32, #tpu.memory_space<vmem>>, vector<1x16xi32>,
      %swap3A_457 = vector.shape_cast %swap3A_456 : vector<1x16xi32> to vector<16xi32>
      %swap3A_458 = vector.shape_cast %select_n3A_452 : vector<16xi32> to vector<1x16xi32>
      tpu.vector_store %arg9[%swap3A_454, %swap3A_455], %swap3A_458 {strides = array<i32>} : memref<4x128xi32, #tpu.memory_space<vmem>>, vector<1x16xi32>,
      %get3A_459 = arith.constant 336 : index
      %get3A_460 = tpu.vector_load %arg8[%get3A_459] {strides = array<i32>} : memref<512xi32, #tpu.memory_space<vmem>>, vector<16xi32>,
      %get3A_461 = vector.shape_cast %get3A_460 : vector<16xi32> to vector<16xi32>
      %sub3A_462 = vector.broadcast %mul3A_0 : i32 to vector<16xi32>
      %sub3A_463 = arith.subi %get3A_461, %sub3A_462 : vector<16xi32>
      %ge3A_464 = vector.broadcast %mul3A_0 : i32 to vector<16xi32>
      %ge3A_465 = arith.cmpi sge, %get3A_461, %ge3A_464 : vector<16xi32>
      %lt3A_466 = arith.constant 50048 : i32
      %lt3A_467 = vector.broadcast %lt3A_466 : i32 to vector<16xi32>
      %lt3A_468 = arith.cmpi slt, %sub3A_463, %lt3A_467 : vector<16xi32>
      %and3A_469 = arith.andi %ge3A_465, %lt3A_468 : vector<16xi1>
      %jit3A_470 = arith.constant 50048 : i32
      %broadcast_in_dim3A_471 = vector.broadcast %jit3A_470 : i32 to vector<16xi32>
      %select_n3A_472 = arith.select %and3A_469, %sub3A_463, %broadcast_in_dim3A_471 : vector<16xi1>, vector<16xi32>
      %swap3A_473 = arith.constant 2 : i32
      %swap3A_474 = arith.index_cast %swap3A_473 : i32 to index
      %swap3A_475 = arith.constant 80 : index
      %swap3A_476 = tpu.vector_load %arg9[%swap3A_474, %swap3A_475] {strides = array<i32>} : memref<4x128xi32, #tpu.memory_space<vmem>>, vector<1x16xi32>,
      %swap3A_477 = vector.shape_cast %swap3A_476 : vector<1x16xi32> to vector<16xi32>
      %swap3A_478 = vector.shape_cast %select_n3A_472 : vector<16xi32> to vector<1x16xi32>
      tpu.vector_store %arg9[%swap3A_474, %swap3A_475], %swap3A_478 {strides = array<i32>} : memref<4x128xi32, #tpu.memory_space<vmem>>, vector<1x16xi32>,
      %get3A_479 = arith.constant 352 : index
      %get3A_480 = tpu.vector_load %arg8[%get3A_479] {strides = array<i32>} : memref<512xi32, #tpu.memory_space<vmem>>, vector<16xi32>,
      %get3A_481 = vector.shape_cast %get3A_480 : vector<16xi32> to vector<16xi32>
      %sub3A_482 = vector.broadcast %mul3A_0 : i32 to vector<16xi32>
      %sub3A_483 = arith.subi %get3A_481, %sub3A_482 : vector<16xi32>
      %ge3A_484 = vector.broadcast %mul3A_0 : i32 to vector<16xi32>
      %ge3A_485 = arith.cmpi sge, %get3A_481, %ge3A_484 : vector<16xi32>
      %lt3A_486 = arith.constant 50048 : i32
      %lt3A_487 = vector.broadcast %lt3A_486 : i32 to vector<16xi32>
      %lt3A_488 = arith.cmpi slt, %sub3A_483, %lt3A_487 : vector<16xi32>
      %and3A_489 = arith.andi %ge3A_485, %lt3A_488 : vector<16xi1>
      %jit3A_490 = arith.constant 50048 : i32
      %broadcast_in_dim3A_491 = vector.broadcast %jit3A_490 : i32 to vector<16xi32>
      %select_n3A_492 = arith.select %and3A_489, %sub3A_483, %broadcast_in_dim3A_491 : vector<16xi1>, vector<16xi32>
      %swap3A_493 = arith.constant 2 : i32
      %swap3A_494 = arith.index_cast %swap3A_493 : i32 to index
      %swap3A_495 = arith.constant 96 : index
      %swap3A_496 = tpu.vector_load %arg9[%swap3A_494, %swap3A_495] {strides = array<i32>} : memref<4x128xi32, #tpu.memory_space<vmem>>, vector<1x16xi32>,
      %swap3A_497 = vector.shape_cast %swap3A_496 : vector<1x16xi32> to vector<16xi32>
      %swap3A_498 = vector.shape_cast %select_n3A_492 : vector<16xi32> to vector<1x16xi32>
      tpu.vector_store %arg9[%swap3A_494, %swap3A_495], %swap3A_498 {strides = array<i32>} : memref<4x128xi32, #tpu.memory_space<vmem>>, vector<1x16xi32>,
      %get3A_499 = arith.constant 368 : index
      %get3A_500 = tpu.vector_load %arg8[%get3A_499] {strides = array<i32>} : memref<512xi32, #tpu.memory_space<vmem>>, vector<16xi32>,
      %get3A_501 = vector.shape_cast %get3A_500 : vector<16xi32> to vector<16xi32>
      %sub3A_502 = vector.broadcast %mul3A_0 : i32 to vector<16xi32>
      %sub3A_503 = arith.subi %get3A_501, %sub3A_502 : vector<16xi32>
      %ge3A_504 = vector.broadcast %mul3A_0 : i32 to vector<16xi32>
      %ge3A_505 = arith.cmpi sge, %get3A_501, %ge3A_504 : vector<16xi32>
      %lt3A_506 = arith.constant 50048 : i32
      %lt3A_507 = vector.broadcast %lt3A_506 : i32 to vector<16xi32>
      %lt3A_508 = arith.cmpi slt, %sub3A_503, %lt3A_507 : vector<16xi32>
      %and3A_509 = arith.andi %ge3A_505, %lt3A_508 : vector<16xi1>
      %jit3A_510 = arith.constant 50048 : i32
      %broadcast_in_dim3A_511 = vector.broadcast %jit3A_510 : i32 to vector<16xi32>
      %select_n3A_512 = arith.select %and3A_509, %sub3A_503, %broadcast_in_dim3A_511 : vector<16xi1>, vector<16xi32>
      %swap3A_513 = arith.constant 2 : i32
      %swap3A_514 = arith.index_cast %swap3A_513 : i32 to index
      %swap3A_515 = arith.constant 112 : index
      %swap3A_516 = tpu.vector_load %arg9[%swap3A_514, %swap3A_515] {strides = array<i32>} : memref<4x128xi32, #tpu.memory_space<vmem>>, vector<1x16xi32>,
      %swap3A_517 = vector.shape_cast %swap3A_516 : vector<1x16xi32> to vector<16xi32>
      %swap3A_518 = vector.shape_cast %select_n3A_512 : vector<16xi32> to vector<1x16xi32>
      tpu.vector_store %arg9[%swap3A_514, %swap3A_515], %swap3A_518 {strides = array<i32>} : memref<4x128xi32, #tpu.memory_space<vmem>>, vector<1x16xi32>,
      %get3A_519 = arith.constant 384 : index
      %get3A_520 = tpu.vector_load %arg8[%get3A_519] {strides = array<i32>} : memref<512xi32, #tpu.memory_space<vmem>>, vector<16xi32>,
      %get3A_521 = vector.shape_cast %get3A_520 : vector<16xi32> to vector<16xi32>
      %sub3A_522 = vector.broadcast %mul3A_0 : i32 to vector<16xi32>
      %sub3A_523 = arith.subi %get3A_521, %sub3A_522 : vector<16xi32>
      %ge3A_524 = vector.broadcast %mul3A_0 : i32 to vector<16xi32>
      %ge3A_525 = arith.cmpi sge, %get3A_521, %ge3A_524 : vector<16xi32>
      %lt3A_526 = arith.constant 50048 : i32
      %lt3A_527 = vector.broadcast %lt3A_526 : i32 to vector<16xi32>
      %lt3A_528 = arith.cmpi slt, %sub3A_523, %lt3A_527 : vector<16xi32>
      %and3A_529 = arith.andi %ge3A_525, %lt3A_528 : vector<16xi1>
      %jit3A_530 = arith.constant 50048 : i32
      %broadcast_in_dim3A_531 = vector.broadcast %jit3A_530 : i32 to vector<16xi32>
      %select_n3A_532 = arith.select %and3A_529, %sub3A_523, %broadcast_in_dim3A_531 : vector<16xi1>, vector<16xi32>
      %swap3A_533 = arith.constant 3 : i32
      %swap3A_534 = arith.index_cast %swap3A_533 : i32 to index
      %swap3A_535 = arith.constant 0 : index
      %swap3A_536 = tpu.vector_load %arg9[%swap3A_534, %swap3A_535] {strides = array<i32>} : memref<4x128xi32, #tpu.memory_space<vmem>>, vector<1x16xi32>,
      %swap3A_537 = vector.shape_cast %swap3A_536 : vector<1x16xi32> to vector<16xi32>
      %swap3A_538 = vector.shape_cast %select_n3A_532 : vector<16xi32> to vector<1x16xi32>
      tpu.vector_store %arg9[%swap3A_534, %swap3A_535], %swap3A_538 {strides = array<i32>} : memref<4x128xi32, #tpu.memory_space<vmem>>, vector<1x16xi32>,
      %get3A_539 = arith.constant 400 : index
      %get3A_540 = tpu.vector_load %arg8[%get3A_539] {strides = array<i32>} : memref<512xi32, #tpu.memory_space<vmem>>, vector<16xi32>,
      %get3A_541 = vector.shape_cast %get3A_540 : vector<16xi32> to vector<16xi32>
      %sub3A_542 = vector.broadcast %mul3A_0 : i32 to vector<16xi32>
      %sub3A_543 = arith.subi %get3A_541, %sub3A_542 : vector<16xi32>
      %ge3A_544 = vector.broadcast %mul3A_0 : i32 to vector<16xi32>
      %ge3A_545 = arith.cmpi sge, %get3A_541, %ge3A_544 : vector<16xi32>
      %lt3A_546 = arith.constant 50048 : i32
      %lt3A_547 = vector.broadcast %lt3A_546 : i32 to vector<16xi32>
      %lt3A_548 = arith.cmpi slt, %sub3A_543, %lt3A_547 : vector<16xi32>
      %and3A_549 = arith.andi %ge3A_545, %lt3A_548 : vector<16xi1>
      %jit3A_550 = arith.constant 50048 : i32
      %broadcast_in_dim3A_551 = vector.broadcast %jit3A_550 : i32 to vector<16xi32>
      %select_n3A_552 = arith.select %and3A_549, %sub3A_543, %broadcast_in_dim3A_551 : vector<16xi1>, vector<16xi32>
      %swap3A_553 = arith.constant 3 : i32
      %swap3A_554 = arith.index_cast %swap3A_553 : i32 to index
      %swap3A_555 = arith.constant 16 : index
      %swap3A_556 = tpu.vector_load %arg9[%swap3A_554, %swap3A_555] {strides = array<i32>} : memref<4x128xi32, #tpu.memory_space<vmem>>, vector<1x16xi32>,
      %swap3A_557 = vector.shape_cast %swap3A_556 : vector<1x16xi32> to vector<16xi32>
      %swap3A_558 = vector.shape_cast %select_n3A_552 : vector<16xi32> to vector<1x16xi32>
      tpu.vector_store %arg9[%swap3A_554, %swap3A_555], %swap3A_558 {strides = array<i32>} : memref<4x128xi32, #tpu.memory_space<vmem>>, vector<1x16xi32>,
      %get3A_559 = arith.constant 416 : index
      %get3A_560 = tpu.vector_load %arg8[%get3A_559] {strides = array<i32>} : memref<512xi32, #tpu.memory_space<vmem>>, vector<16xi32>,
      %get3A_561 = vector.shape_cast %get3A_560 : vector<16xi32> to vector<16xi32>
      %sub3A_562 = vector.broadcast %mul3A_0 : i32 to vector<16xi32>
      %sub3A_563 = arith.subi %get3A_561, %sub3A_562 : vector<16xi32>
      %ge3A_564 = vector.broadcast %mul3A_0 : i32 to vector<16xi32>
      %ge3A_565 = arith.cmpi sge, %get3A_561, %ge3A_564 : vector<16xi32>
      %lt3A_566 = arith.constant 50048 : i32
      %lt3A_567 = vector.broadcast %lt3A_566 : i32 to vector<16xi32>
      %lt3A_568 = arith.cmpi slt, %sub3A_563, %lt3A_567 : vector<16xi32>
      %and3A_569 = arith.andi %ge3A_565, %lt3A_568 : vector<16xi1>
      %jit3A_570 = arith.constant 50048 : i32
      %broadcast_in_dim3A_571 = vector.broadcast %jit3A_570 : i32 to vector<16xi32>
      %select_n3A_572 = arith.select %and3A_569, %sub3A_563, %broadcast_in_dim3A_571 : vector<16xi1>, vector<16xi32>
      %swap3A_573 = arith.constant 3 : i32
      %swap3A_574 = arith.index_cast %swap3A_573 : i32 to index
      %swap3A_575 = arith.constant 32 : index
      %swap3A_576 = tpu.vector_load %arg9[%swap3A_574, %swap3A_575] {strides = array<i32>} : memref<4x128xi32, #tpu.memory_space<vmem>>, vector<1x16xi32>,
      %swap3A_577 = vector.shape_cast %swap3A_576 : vector<1x16xi32> to vector<16xi32>
      %swap3A_578 = vector.shape_cast %select_n3A_572 : vector<16xi32> to vector<1x16xi32>
      tpu.vector_store %arg9[%swap3A_574, %swap3A_575], %swap3A_578 {strides = array<i32>} : memref<4x128xi32, #tpu.memory_space<vmem>>, vector<1x16xi32>,
      %get3A_579 = arith.constant 432 : index
      %get3A_580 = tpu.vector_load %arg8[%get3A_579] {strides = array<i32>} : memref<512xi32, #tpu.memory_space<vmem>>, vector<16xi32>,
      %get3A_581 = vector.shape_cast %get3A_580 : vector<16xi32> to vector<16xi32>
      %sub3A_582 = vector.broadcast %mul3A_0 : i32 to vector<16xi32>
      %sub3A_583 = arith.subi %get3A_581, %sub3A_582 : vector<16xi32>
      %ge3A_584 = vector.broadcast %mul3A_0 : i32 to vector<16xi32>
      %ge3A_585 = arith.cmpi sge, %get3A_581, %ge3A_584 : vector<16xi32>
      %lt3A_586 = arith.constant 50048 : i32
      %lt3A_587 = vector.broadcast %lt3A_586 : i32 to vector<16xi32>
      %lt3A_588 = arith.cmpi slt, %sub3A_583, %lt3A_587 : vector<16xi32>
      %and3A_589 = arith.andi %ge3A_585, %lt3A_588 : vector<16xi1>
      %jit3A_590 = arith.constant 50048 : i32
      %broadcast_in_dim3A_591 = vector.broadcast %jit3A_590 : i32 to vector<16xi32>
      %select_n3A_592 = arith.select %and3A_589, %sub3A_583, %broadcast_in_dim3A_591 : vector<16xi1>, vector<16xi32>
      %swap3A_593 = arith.constant 3 : i32
      %swap3A_594 = arith.index_cast %swap3A_593 : i32 to index
      %swap3A_595 = arith.constant 48 : index
      %swap3A_596 = tpu.vector_load %arg9[%swap3A_594, %swap3A_595] {strides = array<i32>} : memref<4x128xi32, #tpu.memory_space<vmem>>, vector<1x16xi32>,
      %swap3A_597 = vector.shape_cast %swap3A_596 : vector<1x16xi32> to vector<16xi32>
      %swap3A_598 = vector.shape_cast %select_n3A_592 : vector<16xi32> to vector<1x16xi32>
      tpu.vector_store %arg9[%swap3A_594, %swap3A_595], %swap3A_598 {strides = array<i32>} : memref<4x128xi32, #tpu.memory_space<vmem>>, vector<1x16xi32>,
      %get3A_599 = arith.constant 448 : index
      %get3A_600 = tpu.vector_load %arg8[%get3A_599] {strides = array<i32>} : memref<512xi32, #tpu.memory_space<vmem>>, vector<16xi32>,
      %get3A_601 = vector.shape_cast %get3A_600 : vector<16xi32> to vector<16xi32>
      %sub3A_602 = vector.broadcast %mul3A_0 : i32 to vector<16xi32>
      %sub3A_603 = arith.subi %get3A_601, %sub3A_602 : vector<16xi32>
      %ge3A_604 = vector.broadcast %mul3A_0 : i32 to vector<16xi32>
      %ge3A_605 = arith.cmpi sge, %get3A_601, %ge3A_604 : vector<16xi32>
      %lt3A_606 = arith.constant 50048 : i32
      %lt3A_607 = vector.broadcast %lt3A_606 : i32 to vector<16xi32>
      %lt3A_608 = arith.cmpi slt, %sub3A_603, %lt3A_607 : vector<16xi32>
      %and3A_609 = arith.andi %ge3A_605, %lt3A_608 : vector<16xi1>
      %jit3A_610 = arith.constant 50048 : i32
      %broadcast_in_dim3A_611 = vector.broadcast %jit3A_610 : i32 to vector<16xi32>
      %select_n3A_612 = arith.select %and3A_609, %sub3A_603, %broadcast_in_dim3A_611 : vector<16xi1>, vector<16xi32>
      %swap3A_613 = arith.constant 3 : i32
      %swap3A_614 = arith.index_cast %swap3A_613 : i32 to index
      %swap3A_615 = arith.constant 64 : index
      %swap3A_616 = tpu.vector_load %arg9[%swap3A_614, %swap3A_615] {strides = array<i32>} : memref<4x128xi32, #tpu.memory_space<vmem>>, vector<1x16xi32>,
      %swap3A_617 = vector.shape_cast %swap3A_616 : vector<1x16xi32> to vector<16xi32>
      %swap3A_618 = vector.shape_cast %select_n3A_612 : vector<16xi32> to vector<1x16xi32>
      tpu.vector_store %arg9[%swap3A_614, %swap3A_615], %swap3A_618 {strides = array<i32>} : memref<4x128xi32, #tpu.memory_space<vmem>>, vector<1x16xi32>,
      %get3A_619 = arith.constant 464 : index
      %get3A_620 = tpu.vector_load %arg8[%get3A_619] {strides = array<i32>} : memref<512xi32, #tpu.memory_space<vmem>>, vector<16xi32>,
      %get3A_621 = vector.shape_cast %get3A_620 : vector<16xi32> to vector<16xi32>
      %sub3A_622 = vector.broadcast %mul3A_0 : i32 to vector<16xi32>
      %sub3A_623 = arith.subi %get3A_621, %sub3A_622 : vector<16xi32>
      %ge3A_624 = vector.broadcast %mul3A_0 : i32 to vector<16xi32>
      %ge3A_625 = arith.cmpi sge, %get3A_621, %ge3A_624 : vector<16xi32>
      %lt3A_626 = arith.constant 50048 : i32
      %lt3A_627 = vector.broadcast %lt3A_626 : i32 to vector<16xi32>
      %lt3A_628 = arith.cmpi slt, %sub3A_623, %lt3A_627 : vector<16xi32>
      %and3A_629 = arith.andi %ge3A_625, %lt3A_628 : vector<16xi1>
      %jit3A_630 = arith.constant 50048 : i32
      %broadcast_in_dim3A_631 = vector.broadcast %jit3A_630 : i32 to vector<16xi32>
      %select_n3A_632 = arith.select %and3A_629, %sub3A_623, %broadcast_in_dim3A_631 : vector<16xi1>, vector<16xi32>
      %swap3A_633 = arith.constant 3 : i32
      %swap3A_634 = arith.index_cast %swap3A_633 : i32 to index
      %swap3A_635 = arith.constant 80 : index
      %swap3A_636 = tpu.vector_load %arg9[%swap3A_634, %swap3A_635] {strides = array<i32>} : memref<4x128xi32, #tpu.memory_space<vmem>>, vector<1x16xi32>,
      %swap3A_637 = vector.shape_cast %swap3A_636 : vector<1x16xi32> to vector<16xi32>
      %swap3A_638 = vector.shape_cast %select_n3A_632 : vector<16xi32> to vector<1x16xi32>
      tpu.vector_store %arg9[%swap3A_634, %swap3A_635], %swap3A_638 {strides = array<i32>} : memref<4x128xi32, #tpu.memory_space<vmem>>, vector<1x16xi32>,
      %get3A_639 = arith.constant 480 : index
      %get3A_640 = tpu.vector_load %arg8[%get3A_639] {strides = array<i32>} : memref<512xi32, #tpu.memory_space<vmem>>, vector<16xi32>,
      %get3A_641 = vector.shape_cast %get3A_640 : vector<16xi32> to vector<16xi32>
      %sub3A_642 = vector.broadcast %mul3A_0 : i32 to vector<16xi32>
      %sub3A_643 = arith.subi %get3A_641, %sub3A_642 : vector<16xi32>
      %ge3A_644 = vector.broadcast %mul3A_0 : i32 to vector<16xi32>
      %ge3A_645 = arith.cmpi sge, %get3A_641, %ge3A_644 : vector<16xi32>
      %lt3A_646 = arith.constant 50048 : i32
      %lt3A_647 = vector.broadcast %lt3A_646 : i32 to vector<16xi32>
      %lt3A_648 = arith.cmpi slt, %sub3A_643, %lt3A_647 : vector<16xi32>
      %and3A_649 = arith.andi %ge3A_645, %lt3A_648 : vector<16xi1>
      %jit3A_650 = arith.constant 50048 : i32
      %broadcast_in_dim3A_651 = vector.broadcast %jit3A_650 : i32 to vector<16xi32>
      %select_n3A_652 = arith.select %and3A_649, %sub3A_643, %broadcast_in_dim3A_651 : vector<16xi1>, vector<16xi32>
      %swap3A_653 = arith.constant 3 : i32
      %swap3A_654 = arith.index_cast %swap3A_653 : i32 to index
      %swap3A_655 = arith.constant 96 : index
      %swap3A_656 = tpu.vector_load %arg9[%swap3A_654, %swap3A_655] {strides = array<i32>} : memref<4x128xi32, #tpu.memory_space<vmem>>, vector<1x16xi32>,
      %swap3A_657 = vector.shape_cast %swap3A_656 : vector<1x16xi32> to vector<16xi32>
      %swap3A_658 = vector.shape_cast %select_n3A_652 : vector<16xi32> to vector<1x16xi32>
      tpu.vector_store %arg9[%swap3A_654, %swap3A_655], %swap3A_658 {strides = array<i32>} : memref<4x128xi32, #tpu.memory_space<vmem>>, vector<1x16xi32>,
      %get3A_659 = arith.constant 496 : index
      %get3A_660 = tpu.vector_load %arg8[%get3A_659] {strides = array<i32>} : memref<512xi32, #tpu.memory_space<vmem>>, vector<16xi32>,
      %get3A_661 = vector.shape_cast %get3A_660 : vector<16xi32> to vector<16xi32>
      %sub3A_662 = vector.broadcast %mul3A_0 : i32 to vector<16xi32>
      %sub3A_663 = arith.subi %get3A_661, %sub3A_662 : vector<16xi32>
      %ge3A_664 = vector.broadcast %mul3A_0 : i32 to vector<16xi32>
      %ge3A_665 = arith.cmpi sge, %get3A_661, %ge3A_664 : vector<16xi32>
      %lt3A_666 = arith.constant 50048 : i32
      %lt3A_667 = vector.broadcast %lt3A_666 : i32 to vector<16xi32>
      %lt3A_668 = arith.cmpi slt, %sub3A_663, %lt3A_667 : vector<16xi32>
      %and3A_669 = arith.andi %ge3A_665, %lt3A_668 : vector<16xi1>
      %jit3A_670 = arith.constant 50048 : i32
      %broadcast_in_dim3A_671 = vector.broadcast %jit3A_670 : i32 to vector<16xi32>
      %select_n3A_672 = arith.select %and3A_669, %sub3A_663, %broadcast_in_dim3A_671 : vector<16xi1>, vector<16xi32>
      %swap3A_673 = arith.constant 3 : i32
      %swap3A_674 = arith.index_cast %swap3A_673 : i32 to index
      %swap3A_675 = arith.constant 112 : index
      %swap3A_676 = tpu.vector_load %arg9[%swap3A_674, %swap3A_675] {strides = array<i32>} : memref<4x128xi32, #tpu.memory_space<vmem>>, vector<1x16xi32>,
      %swap3A_677 = vector.shape_cast %swap3A_676 : vector<1x16xi32> to vector<16xi32>
      %swap3A_678 = vector.shape_cast %select_n3A_672 : vector<16xi32> to vector<1x16xi32>
      tpu.vector_store %arg9[%swap3A_674, %swap3A_675], %swap3A_678 {strides = array<i32>} : memref<4x128xi32, #tpu.memory_space<vmem>>, vector<1x16xi32>,
      %dma_wait3A = arith.constant 0 : i32
      %dma_wait3A_679 = arith.constant 0 : i32
      %dma_wait3A_680 = tpu.memref_slice %arg10[%dma_wait3A, %dma_wait3A_679] : memref<512x32xf32, #tpu.memory_space<vmem>> -> memref<128x32xf32, #tpu.memory_space<vmem>>
      %dma_wait3A_681 = arith.constant 0 : i32
      %dma_wait3A_682 = tpu.memref_slice %arg7[%dma_wait3A_681] : memref<512xi32, #tpu.memory_space<vmem>> -> memref<128xi32, #tpu.memory_space<vmem>>
      %dma_wait3A_683 = arith.constant 0 : i32
      %dma_wait3A_684 = arith.constant 0 : i32
      %dma_wait3A_685 = tpu.memref_slice %arg2[%dma_wait3A_683, %dma_wait3A_684] : memref<100000x32xf32, #tpu.memory_space<hbm>> -> memref<100000x32xf32, #tpu.memory_space<hbm>>
      tpu.wait_indirect_dma semaphore(%arg12 : memref<!tpu.dma_semaphore, #tpu.memory_space<semaphore_mem>>) src(%dma_wait3A_685 : memref<100000x32xf32, #tpu.memory_space<hbm>>) dst(%dma_wait3A_680 : memref<128x32xf32, #tpu.memory_space<vmem>>)
      %dma_wait3A_686 = arith.constant 128 : i32
      %dma_wait3A_687 = arith.constant 0 : i32
      %dma_wait3A_688 = tpu.memref_slice %arg10[%dma_wait3A_686, %dma_wait3A_687] : memref<512x32xf32, #tpu.memory_space<vmem>> -> memref<128x32xf32, #tpu.memory_space<vmem>>
      %dma_wait3A_689 = arith.constant 128 : i32
      %dma_wait3A_690 = tpu.memref_slice %arg7[%dma_wait3A_689] : memref<512xi32, #tpu.memory_space<vmem>> -> memref<128xi32, #tpu.memory_space<vmem>>
      %dma_wait3A_691 = arith.constant 0 : i32
      %dma_wait3A_692 = arith.constant 0 : i32
      %dma_wait3A_693 = tpu.memref_slice %arg2[%dma_wait3A_691, %dma_wait3A_692] : memref<100000x32xf32, #tpu.memory_space<hbm>> -> memref<100000x32xf32, #tpu.memory_space<hbm>>
      tpu.wait_indirect_dma semaphore(%arg12 : memref<!tpu.dma_semaphore, #tpu.memory_space<semaphore_mem>>) src(%dma_wait3A_693 : memref<100000x32xf32, #tpu.memory_space<hbm>>) dst(%dma_wait3A_688 : memref<128x32xf32, #tpu.memory_space<vmem>>)
      %dma_wait3A_694 = arith.constant 256 : i32
      %dma_wait3A_695 = arith.constant 0 : i32
      %dma_wait3A_696 = tpu.memref_slice %arg10[%dma_wait3A_694, %dma_wait3A_695] : memref<512x32xf32, #tpu.memory_space<vmem>> -> memref<128x32xf32, #tpu.memory_space<vmem>>
      %dma_wait3A_697 = arith.constant 256 : i32
      %dma_wait3A_698 = tpu.memref_slice %arg7[%dma_wait3A_697] : memref<512xi32, #tpu.memory_space<vmem>> -> memref<128xi32, #tpu.memory_space<vmem>>
      %dma_wait3A_699 = arith.constant 0 : i32
      %dma_wait3A_700 = arith.constant 0 : i32
      %dma_wait3A_701 = tpu.memref_slice %arg2[%dma_wait3A_699, %dma_wait3A_700] : memref<100000x32xf32, #tpu.memory_space<hbm>> -> memref<100000x32xf32, #tpu.memory_space<hbm>>
      tpu.wait_indirect_dma semaphore(%arg12 : memref<!tpu.dma_semaphore, #tpu.memory_space<semaphore_mem>>) src(%dma_wait3A_701 : memref<100000x32xf32, #tpu.memory_space<hbm>>) dst(%dma_wait3A_696 : memref<128x32xf32, #tpu.memory_space<vmem>>)
      %dma_wait3A_702 = arith.constant 384 : i32
      %dma_wait3A_703 = arith.constant 0 : i32
      %dma_wait3A_704 = tpu.memref_slice %arg10[%dma_wait3A_702, %dma_wait3A_703] : memref<512x32xf32, #tpu.memory_space<vmem>> -> memref<128x32xf32, #tpu.memory_space<vmem>>
      %dma_wait3A_705 = arith.constant 384 : i32
      %dma_wait3A_706 = tpu.memref_slice %arg7[%dma_wait3A_705] : memref<512xi32, #tpu.memory_space<vmem>> -> memref<128xi32, #tpu.memory_space<vmem>>
      %dma_wait3A_707 = arith.constant 0 : i32
      %dma_wait3A_708 = arith.constant 0 : i32
      %dma_wait3A_709 = tpu.memref_slice %arg2[%dma_wait3A_707, %dma_wait3A_708] : memref<100000x32xf32, #tpu.memory_space<hbm>> -> memref<100000x32xf32, #tpu.memory_space<hbm>>
      tpu.wait_indirect_dma semaphore(%arg12 : memref<!tpu.dma_semaphore, #tpu.memory_space<semaphore_mem>>) src(%dma_wait3A_709 : memref<100000x32xf32, #tpu.memory_space<hbm>>) dst(%dma_wait3A_704 : memref<128x32xf32, #tpu.memory_space<vmem>>)
      %dma_start3A_710 = arith.constant 0 : i32
      %dma_start3A_711 = arith.constant 0 : i32
      %dma_start3A_712 = arith.constant 0 : i32
      %dma_start3A_713 = tpu.memref_slice %arg10[%dma_start3A_711, %dma_start3A_712] : memref<512x32xf32, #tpu.memory_space<vmem>> -> memref<128x32xf32, #tpu.memory_space<vmem>>
      %dma_start3A_714 = arith.constant 0 : i32
      %dma_start3A_715 = tpu.memref_slice %arg9[%dma_start3A_710, %dma_start3A_714] : memref<4x128xi32, #tpu.memory_space<vmem>> -> memref<1x128xi32, #tpu.memory_space<vmem>>
      %dma_start3A_716 = tpu.memref_squeeze %dma_start3A_715 : memref<1x128xi32, #tpu.memory_space<vmem>> -> memref<128xi32, #tpu.memory_space<vmem>>
      %dma_start3A_717 = arith.constant 0 : i32
      %dma_start3A_718 = arith.constant 0 : i32
      %dma_start3A_719 = tpu.memref_slice %arg11[%dma_start3A_717, %dma_start3A_718] : memref<50056x32xf32, #tpu.memory_space<vmem_shared>> -> memref<50056x32xf32, #tpu.memory_space<vmem_shared>>
      tpu.enqueue_indirect_dma source(%dma_start3A_713 : memref<128x32xf32, #tpu.memory_space<vmem>>) target(%dma_start3A_719 : memref<50056x32xf32, #tpu.memory_space<vmem_shared>>) offsets(%dma_start3A_716 : memref<128xi32, #tpu.memory_space<vmem>>) semaphore(%arg13 : memref<!tpu.dma_semaphore, #tpu.memory_space<semaphore_mem>>) {add = true}
      %dma_start3A_720 = arith.constant 1 : i32
      %dma_start3A_721 = arith.constant 128 : i32
      %dma_start3A_722 = arith.constant 0 : i32
      %dma_start3A_723 = tpu.memref_slice %arg10[%dma_start3A_721, %dma_start3A_722] : memref<512x32xf32, #tpu.memory_space<vmem>> -> memref<128x32xf32, #tpu.memory_space<vmem>>
      %dma_start3A_724 = arith.constant 0 : i32
      %dma_start3A_725 = tpu.memref_slice %arg9[%dma_start3A_720, %dma_start3A_724] : memref<4x128xi32, #tpu.memory_space<vmem>> -> memref<1x128xi32, #tpu.memory_space<vmem>>
      %dma_start3A_726 = tpu.memref_squeeze %dma_start3A_725 : memref<1x128xi32, #tpu.memory_space<vmem>> -> memref<128xi32, #tpu.memory_space<vmem>>
      %dma_start3A_727 = arith.constant 0 : i32
      %dma_start3A_728 = arith.constant 0 : i32
      %dma_start3A_729 = tpu.memref_slice %arg11[%dma_start3A_727, %dma_start3A_728] : memref<50056x32xf32, #tpu.memory_space<vmem_shared>> -> memref<50056x32xf32, #tpu.memory_space<vmem_shared>>
      tpu.enqueue_indirect_dma source(%dma_start3A_723 : memref<128x32xf32, #tpu.memory_space<vmem>>) target(%dma_start3A_729 : memref<50056x32xf32, #tpu.memory_space<vmem_shared>>) offsets(%dma_start3A_726 : memref<128xi32, #tpu.memory_space<vmem>>) semaphore(%arg13 : memref<!tpu.dma_semaphore, #tpu.memory_space<semaphore_mem>>) {add = true}
      %dma_start3A_730 = arith.constant 2 : i32
      %dma_start3A_731 = arith.constant 256 : i32
      %dma_start3A_732 = arith.constant 0 : i32
      %dma_start3A_733 = tpu.memref_slice %arg10[%dma_start3A_731, %dma_start3A_732] : memref<512x32xf32, #tpu.memory_space<vmem>> -> memref<128x32xf32, #tpu.memory_space<vmem>>
      %dma_start3A_734 = arith.constant 0 : i32
      %dma_start3A_735 = tpu.memref_slice %arg9[%dma_start3A_730, %dma_start3A_734] : memref<4x128xi32, #tpu.memory_space<vmem>> -> memref<1x128xi32, #tpu.memory_space<vmem>>
      %dma_start3A_736 = tpu.memref_squeeze %dma_start3A_735 : memref<1x128xi32, #tpu.memory_space<vmem>> -> memref<128xi32, #tpu.memory_space<vmem>>
      %dma_start3A_737 = arith.constant 0 : i32
      %dma_start3A_738 = arith.constant 0 : i32
      %dma_start3A_739 = tpu.memref_slice %arg11[%dma_start3A_737, %dma_start3A_738] : memref<50056x32xf32, #tpu.memory_space<vmem_shared>> -> memref<50056x32xf32, #tpu.memory_space<vmem_shared>>
      tpu.enqueue_indirect_dma source(%dma_start3A_733 : memref<128x32xf32, #tpu.memory_space<vmem>>) target(%dma_start3A_739 : memref<50056x32xf32, #tpu.memory_space<vmem_shared>>) offsets(%dma_start3A_736 : memref<128xi32, #tpu.memory_space<vmem>>) semaphore(%arg13 : memref<!tpu.dma_semaphore, #tpu.memory_space<semaphore_mem>>) {add = true}
      %dma_start3A_740 = arith.constant 3 : i32
      %dma_start3A_741 = arith.constant 384 : i32
      %dma_start3A_742 = arith.constant 0 : i32
      %dma_start3A_743 = tpu.memref_slice %arg10[%dma_start3A_741, %dma_start3A_742] : memref<512x32xf32, #tpu.memory_space<vmem>> -> memref<128x32xf32, #tpu.memory_space<vmem>>
      %dma_start3A_744 = arith.constant 0 : i32
      %dma_start3A_745 = tpu.memref_slice %arg9[%dma_start3A_740, %dma_start3A_744] : memref<4x128xi32, #tpu.memory_space<vmem>> -> memref<1x128xi32, #tpu.memory_space<vmem>>
      %dma_start3A_746 = tpu.memref_squeeze %dma_start3A_745 : memref<1x128xi32, #tpu.memory_space<vmem>> -> memref<128xi32, #tpu.memory_space<vmem>>
      %dma_start3A_747 = arith.constant 0 : i32
      %dma_start3A_748 = arith.constant 0 : i32
      %dma_start3A_749 = tpu.memref_slice %arg11[%dma_start3A_747, %dma_start3A_748] : memref<50056x32xf32, #tpu.memory_space<vmem_shared>> -> memref<50056x32xf32, #tpu.memory_space<vmem_shared>>
      tpu.enqueue_indirect_dma source(%dma_start3A_743 : memref<128x32xf32, #tpu.memory_space<vmem>>) target(%dma_start3A_749 : memref<50056x32xf32, #tpu.memory_space<vmem_shared>>) offsets(%dma_start3A_746 : memref<128xi32, #tpu.memory_space<vmem>>) semaphore(%arg13 : memref<!tpu.dma_semaphore, #tpu.memory_space<semaphore_mem>>) {add = true}
      %dma_wait3A_750 = arith.constant 0 : i32
      %dma_wait3A_751 = arith.constant 0 : i32
      %dma_wait3A_752 = arith.constant 0 : i32
      %dma_wait3A_753 = tpu.memref_slice %arg10[%dma_wait3A_751, %dma_wait3A_752] : memref<512x32xf32, #tpu.memory_space<vmem>> -> memref<128x32xf32, #tpu.memory_space<vmem>>
      %dma_wait3A_754 = arith.constant 0 : i32
      %dma_wait3A_755 = tpu.memref_slice %arg9[%dma_wait3A_750, %dma_wait3A_754] : memref<4x128xi32, #tpu.memory_space<vmem>> -> memref<1x128xi32, #tpu.memory_space<vmem>>
      %dma_wait3A_756 = tpu.memref_squeeze %dma_wait3A_755 : memref<1x128xi32, #tpu.memory_space<vmem>> -> memref<128xi32, #tpu.memory_space<vmem>>
      %dma_wait3A_757 = arith.constant 0 : i32
      %dma_wait3A_758 = arith.constant 0 : i32
      %dma_wait3A_759 = tpu.memref_slice %arg11[%dma_wait3A_757, %dma_wait3A_758] : memref<50056x32xf32, #tpu.memory_space<vmem_shared>> -> memref<50056x32xf32, #tpu.memory_space<vmem_shared>>
      tpu.wait_indirect_dma semaphore(%arg13 : memref<!tpu.dma_semaphore, #tpu.memory_space<semaphore_mem>>) src(%dma_wait3A_753 : memref<128x32xf32, #tpu.memory_space<vmem>>) dst(%dma_wait3A_759 : memref<50056x32xf32, #tpu.memory_space<vmem_shared>>)
      %dma_wait3A_760 = arith.constant 1 : i32
      %dma_wait3A_761 = arith.constant 128 : i32
      %dma_wait3A_762 = arith.constant 0 : i32
      %dma_wait3A_763 = tpu.memref_slice %arg10[%dma_wait3A_761, %dma_wait3A_762] : memref<512x32xf32, #tpu.memory_space<vmem>> -> memref<128x32xf32, #tpu.memory_space<vmem>>
      %dma_wait3A_764 = arith.constant 0 : i32
      %dma_wait3A_765 = tpu.memref_slice %arg9[%dma_wait3A_760, %dma_wait3A_764] : memref<4x128xi32, #tpu.memory_space<vmem>> -> memref<1x128xi32, #tpu.memory_space<vmem>>
      %dma_wait3A_766 = tpu.memref_squeeze %dma_wait3A_765 : memref<1x128xi32, #tpu.memory_space<vmem>> -> memref<128xi32, #tpu.memory_space<vmem>>
      %dma_wait3A_767 = arith.constant 0 : i32
      %dma_wait3A_768 = arith.constant 0 : i32
      %dma_wait3A_769 = tpu.memref_slice %arg11[%dma_wait3A_767, %dma_wait3A_768] : memref<50056x32xf32, #tpu.memory_space<vmem_shared>> -> memref<50056x32xf32, #tpu.memory_space<vmem_shared>>
      tpu.wait_indirect_dma semaphore(%arg13 : memref<!tpu.dma_semaphore, #tpu.memory_space<semaphore_mem>>) src(%dma_wait3A_763 : memref<128x32xf32, #tpu.memory_space<vmem>>) dst(%dma_wait3A_769 : memref<50056x32xf32, #tpu.memory_space<vmem_shared>>)
      %dma_wait3A_770 = arith.constant 2 : i32
      %dma_wait3A_771 = arith.constant 256 : i32
      %dma_wait3A_772 = arith.constant 0 : i32
      %dma_wait3A_773 = tpu.memref_slice %arg10[%dma_wait3A_771, %dma_wait3A_772] : memref<512x32xf32, #tpu.memory_space<vmem>> -> memref<128x32xf32, #tpu.memory_space<vmem>>
      %dma_wait3A_774 = arith.constant 0 : i32
      %dma_wait3A_775 = tpu.memref_slice %arg9[%dma_wait3A_770, %dma_wait3A_774] : memref<4x128xi32, #tpu.memory_space<vmem>> -> memref<1x128xi32, #tpu.memory_space<vmem>>
      %dma_wait3A_776 = tpu.memref_squeeze %dma_wait3A_775 : memref<1x128xi32, #tpu.memory_space<vmem>> -> memref<128xi32, #tpu.memory_space<vmem>>
      %dma_wait3A_777 = arith.constant 0 : i32
      %dma_wait3A_778 = arith.constant 0 : i32
      %dma_wait3A_779 = tpu.memref_slice %arg11[%dma_wait3A_777, %dma_wait3A_778] : memref<50056x32xf32, #tpu.memory_space<vmem_shared>> -> memref<50056x32xf32, #tpu.memory_space<vmem_shared>>
      tpu.wait_indirect_dma semaphore(%arg13 : memref<!tpu.dma_semaphore, #tpu.memory_space<semaphore_mem>>) src(%dma_wait3A_773 : memref<128x32xf32, #tpu.memory_space<vmem>>) dst(%dma_wait3A_779 : memref<50056x32xf32, #tpu.memory_space<vmem_shared>>)
      %dma_wait3A_780 = arith.constant 3 : i32
      %dma_wait3A_781 = arith.constant 384 : i32
      %dma_wait3A_782 = arith.constant 0 : i32
      %dma_wait3A_783 = tpu.memref_slice %arg10[%dma_wait3A_781, %dma_wait3A_782] : memref<512x32xf32, #tpu.memory_space<vmem>> -> memref<128x32xf32, #tpu.memory_space<vmem>>
      %dma_wait3A_784 = arith.constant 0 : i32
      %dma_wait3A_785 = tpu.memref_slice %arg9[%dma_wait3A_780, %dma_wait3A_784] : memref<4x128xi32, #tpu.memory_space<vmem>> -> memref<1x128xi32, #tpu.memory_space<vmem>>
      %dma_wait3A_786 = tpu.memref_squeeze %dma_wait3A_785 : memref<1x128xi32, #tpu.memory_space<vmem>> -> memref<128xi32, #tpu.memory_space<vmem>>
      %dma_wait3A_787 = arith.constant 0 : i32
      %dma_wait3A_788 = arith.constant 0 : i32
      %dma_wait3A_789 = tpu.memref_slice %arg11[%dma_wait3A_787, %dma_wait3A_788] : memref<50056x32xf32, #tpu.memory_space<vmem_shared>> -> memref<50056x32xf32, #tpu.memory_space<vmem_shared>>
      tpu.wait_indirect_dma semaphore(%arg13 : memref<!tpu.dma_semaphore, #tpu.memory_space<semaphore_mem>>) src(%dma_wait3A_783 : memref<128x32xf32, #tpu.memory_space<vmem>>) dst(%dma_wait3A_789 : memref<50056x32xf32, #tpu.memory_space<vmem_shared>>)
    }
    %scan3A_9 = arith.constant 196 : i32
    %barrier3A_10 = arith.constant 0 : index
    tpu.barrier barrier_id(%barrier3A_10)
    %mul3A_11 = arith.constant 3128 : i32
    %mul3A_12 = arith.muli %arg1, %mul3A_11 : i32
    %add3A = arith.addi %mul3A_0, %mul3A_12 : i32
    "tpu.region"() ({
      %run_scoped3A = tpu.sem_alloc : memref<!tpu.dma_semaphore, #tpu.memory_space<semaphore_mem>>
      %dma_start3A = arith.constant 0 : i32
      %dma_start3A_13 = tpu.memref_slice %arg6[%add3A, %dma_start3A] : memref<100096x32xf32, #tpu.memory_space<hbm>> -> memref<3128x32xf32, #tpu.memory_space<hbm>>
      %dma_start3A_14 = arith.constant 0 : i32
      %dma_start3A_15 = tpu.memref_slice %arg11[%mul3A_12, %dma_start3A_14] : memref<50056x32xf32, #tpu.memory_space<vmem_shared>> -> memref<3128x32xf32, #tpu.memory_space<vmem_shared>>
      tpu.enqueue_dma source(%dma_start3A_15 : memref<3128x32xf32, #tpu.memory_space<vmem_shared>>) target(%dma_start3A_13 : memref<3128x32xf32, #tpu.memory_space<hbm>>) target_semaphore(%run_scoped3A : memref<!tpu.dma_semaphore, #tpu.memory_space<semaphore_mem>>)
      %dma_wait3A = arith.constant 0 : i32
      %dma_wait3A_16 = tpu.memref_slice %arg6[%add3A, %dma_wait3A] : memref<100096x32xf32, #tpu.memory_space<hbm>> -> memref<3128x32xf32, #tpu.memory_space<hbm>>
      %dma_wait3A_17 = arith.constant 0 : i32
      %dma_wait3A_18 = tpu.memref_slice %arg11[%mul3A_12, %dma_wait3A_17] : memref<50056x32xf32, #tpu.memory_space<vmem_shared>> -> memref<3128x32xf32, #tpu.memory_space<vmem_shared>>
      tpu.wait_dma2 semaphore(%run_scoped3A : memref<!tpu.dma_semaphore, #tpu.memory_space<semaphore_mem>>) src(%dma_wait3A_18 : memref<3128x32xf32, #tpu.memory_space<vmem_shared>>) dst(%dma_wait3A_16 : memref<3128x32xf32, #tpu.memory_space<hbm>>)
      tpu.yield
    }) : () -> ()
    return
  }
}

</mosaic_0001>

<sc_bundles>
// kernel: _seg_sum.3.cloned.1.call-start
scs
__scs_entry_jumppad:
0x0: {  	(pc) =	sbr.rel $0x88, $3  }
0x1: {  	(tag) =	ssettag $0x0;
	lr =	simm.s32 $0x1  }
0x2: {  	[smem:$0x3F9E] =	sst lr;
	_ =	strace $0xD0000000  }
0x3: {  	_ = 	snop  }
0x4: {  	_ = 	snop  }
0x5: {  	_ = 	snop  }
0x6: {  	_ = 	snop  }
0x7: {  	_ = 	snop  }
__scs_overlays_trampoline_lowered:
0x8: {  	[smem:$0x3FAD] =	sst s0  }
0x9: {  	[smem:$0x3FAE] =	sst s1  }
0xa: {  	[smem:$0x3FAF] =	sst s2  }
0xb: {  	[smem:$0x3FB0] =	sst s3  }
0xc: {  	[smem:$0x3FB1] =	sst s4  }
0xd: {  	[smem:$0x3FB2] =	sst s5  }
0xe: {  	[smem:$0x3FB3] =	sst s6  }
0xf: {  	[smem:$0x3FB4] =	sst s7  }
0x10: {  	[smem:$0x3FB5] =	sst s8  }
0x11: {  	[smem:$0x3FB6] =	sst s9;
	s0 =	simm.s32 @!p0 $0x0  }
0x12: {  	s1 =	sld [smem:$0x3F9C];
	s0 =	simm.s32 @p0 $0x1  }
0x13: {  	[smem:$0x3FB7] =	sst s0;
	s0 =	simm.s32 @!p1 $0x0  }
0x14: {  	s2 =	sld [smem:$0x3F9B];
	s0 =	simm.s32 @p1 $0x1  }
0x15: {  	[smem:$0x3FB8] =	sst s0;
	s0 =	simm.s32 @!p2 $0x0  }
0x16: {  	s3 =	sld [smem:$0x3FDB];
	s0 =	simm.s32 @p2 $0x1  }
0x17: {  	s4 =	simm.s32 $0x1BF5;
	[smem:$0x3FBA] =	sst s0  }
0x18: {  	s0 =	sld [smem:$0x3F9D];
	_ =	swait.ge [sflag:s4], $0x0  }
0x19: {  	s7 =	sld [smem:$0x3F9E]  }
0x1a: {  	s8 =	sadd.s32 $0xFFFFE003, lr  }
0x1b: {  	s9 =	sadd.s32 $0xFFFFFEF7, lr;
	s5 =	simm.s32 $0xFFFFFFFF;
	p2 =	slt.u32 s8, $0xFFFFF086  }
0x1c: {  	p1 =	slt.u32 s9, $0xF7A;
	s5 =	simm.s32 @!p2 $0x0  }
0x1d: {  	s5 =	simm.s32 @p1 $0x1;
	p0 =	seq.s32 s7, s2  }
0x1e: {  	s7 =	smul.u32 @!p0 $0xF7A, s2;
	p2 =	seq.s32 @!p0 s5, $0x0  }
0x1f: {  	s9 =	smul.u32 $0xF7A, s1;
	s8 =	simm.s32 @!p0 $0x1BF5;
	p2 =	por !p2, p0  }
0x20: {  	[sflag:s8] =	ssyncset.s32 @!p0 $0xFFFFF086;
	s6 =	sadd.s32 @!p0 s3, s7;
	s7 =	simm.s32 @!p0 $0x108  }
0x21: {  	s3 =	sadd.s32 s3, s9;
	s6 =	sadd.s32 @!p0 $0x88, s6;
	s7 =	simm.s32 @p2 $0x1082  }
0x22: {  	[simem:s7], [sflag:s8] =	dma.local @!p0 [hbm:s6], $0xF7A  }
0x23: {  	s9 =	sor.u32 $0xD0000000, s2;
	s6 =	simm.s32 $0x108;
	_ =	swait.ge @!p0 [sflag:s8], $0x0  }
0x24: {  	s3 =	sadd.s32 $0x88, s3;
	s6 =	simm.s32 @!p1 $0x1082;
	[sflag:s4] =	ssyncset.s32 $0xFFFFF086  }
0x25: {  	[simem:s6], [sflag:s4] =	dma.local [hbm:s3], $0xF7A  }
0x26: {  	[smem:$0x3F9E] =	sst s1;
	(tag) =	ssettag s2;
	_ =	strace s9  }
0x27: {  	s1 =	sld [smem:$0x3FAE]  }
0x28: {  	s2 =	sld [smem:$0x3FAF]  }
0x29: {  	s4 =	sld [smem:$0x3FB1]  }
0x2a: {  	p0 =	seq.s32 s5, $0x0;
	s5 =	sld [smem:$0x3FB2]  }
0x2b: {  	s6 =	sld [smem:$0x3FB3]  }
0x2c: {  	s7 =	sld [smem:$0x3FB4]  }
0x2d: {  	s3 =	simm.s32 $0x108;
	s8 =	sld [smem:$0x3FB5]  }
0x2e: {  	s3 =	simm.s32 @!p0 $0x1082;
	s9 =	sld [smem:$0x3FB6]  }
0x2f: {  	lr =	sadd.s32 s0, s3;
	s0 =	sld [smem:$0x3FAD]  }
0x30: {  	s3 =	sld [smem:$0x3FB0]  }
0x31: {  	[smem:$0x3FB9] =	sst s10  }
0x32: {  	s10 =	sld [smem:$0x3FB7];
	_ =	sdelay $0x3  }
0x33: {  	p0 =	seq.s32 s10, $0x1;
	s10 =	sld [smem:$0x3FB9];
	_ =	sdelay $0x3  }
0x34: {  	[smem:$0x3FB9] =	sst s10  }
0x35: {  	s10 =	sld [smem:$0x3FB8];
	_ =	sdelay $0x3  }
0x36: {  	p1 =	seq.s32 s10, $0x1;
	s10 =	sld [smem:$0x3FB9];
	_ =	sdelay $0x3  }
0x37: {  	[smem:$0x3FB9] =	sst s10  }
0x38: {  	s10 =	sld [smem:$0x3FBA]  }
0x39: {  	_ = 	snop;
	(pc) =	sbr.ind lr, $3  }
0x3a: {  	_ = 	snop  }
0x3b: {  	_ = 	snop  }
0x3c: {  	p2 =	seq.s32 s10, $0x1;
	s10 =	sld [smem:$0x3FB9]  }
0x3d: {  	_ =	shalt  }
0x3e: {  	_ =	shalt  }
0x3f: {  	_ =	shalt  }
0x40: {  	_ =	shalt  }
0x41: {  	_ =	shalt  }
0x42: {  	_ =	shalt  }
0x43: {  	_ =	shalt  }
0x44: {  	_ =	shalt  }
0x45: {  	_ =	shalt  }
0x46: {  	_ =	shalt  }
0x47: {  	_ =	shalt  }
0x48: {  	_ =	shalt  }
0x49: {  	_ =	shalt  }
0x4a: {  	_ =	shalt  }
0x4b: {  	_ =	shalt  }
0x4c: {  	_ =	shalt  }
0x4d: {  	_ =	shalt  }
0x4e: {  	_ =	shalt  }
0x4f: {  	_ =	shalt  }
0x50: {  	_ =	shalt  }
0x51: {  	_ =	shalt  }
0x52: {  	_ =	shalt  }
0x53: {  	_ =	shalt  }
0x54: {  	_ =	shalt  }
0x55: {  	_ =	shalt  }
0x56: {  	_ =	shalt  }
0x57: {  	_ =	shalt  }
0x58: {  	_ =	shalt  }
0x59: {  	_ =	shalt  }
0x5a: {  	_ =	shalt  }
0x5b: {  	_ =	shalt  }
0x5c: {  	_ =	shalt  }
0x5d: {  	_ =	shalt  }
0x5e: {  	_ =	shalt  }
0x5f: {  	_ =	shalt  }
0x60: {  	_ =	shalt  }
0x61: {  	_ =	shalt  }
0x62: {  	_ =	shalt  }
0x63: {  	_ =	shalt  }
0x64: {  	_ =	shalt  }
0x65: {  	_ =	shalt  }
0x66: {  	_ =	shalt  }
0x67: {  	_ =	shalt  }
0x68: {  	_ =	shalt  }
0x69: {  	_ =	shalt  }
0x6a: {  	_ =	shalt  }
0x6b: {  	_ =	shalt  }
0x6c: {  	_ =	shalt  }
0x6d: {  	_ =	shalt  }
0x6e: {  	_ =	shalt  }
0x6f: {  	_ =	shalt  }
0x70: {  	_ =	shalt  }
0x71: {  	_ =	shalt  }
0x72: {  	_ =	shalt  }
0x73: {  	_ =	shalt  }
0x74: {  	_ =	shalt  }
0x75: {  	_ =	shalt  }
0x76: {  	_ =	shalt  }
0x77: {  	_ =	shalt  }
0x78: {  	_ =	shalt  }
0x79: {  	_ =	shalt  }
0x7a: {  	_ =	shalt  }
0x7b: {  	_ =	shalt  }
0x7c: {  	_ =	shalt  }
0x7d: {  	_ =	shalt  }
0x7e: {  	_ =	shalt  }
0x7f: {  	_ =	shalt  }
0x80: {  	_ =	shalt  }
0x81: {  	_ =	shalt  }
0x82: {  	_ =	shalt  }
0x83: {  	_ =	shalt  }
0x84: {  	_ =	shalt  }
0x85: {  	_ =	shalt  }
0x86: {  	_ =	shalt  }
0x87: {  	_ =	shalt  }
.Lfunc_end0:
.L_simem_size_0:
called_computation_lowered:
.L_overlay_start_0:
0x88: {  	s2 =	sld [smem:$0x3FD9]  }
0x89: {  	s3 =	sld [smem:$0x3FFE];
	_ =	sdelay $0x1  }
0x8a: {  	s1 =	srdreg.scid  }
0x8b: {  	s0 =	sand.u32 $0x1, s1  }
0x8c: {  	s17 =	sshll.u32 s0, $0xA;
	s2 =	sadd.s32 s3, s2  }
0x8d: {  	s2 =	sadd.s32 s2, s17  }
0x8e: {  	[smem:$0x3FC5] =	sst s2  }
0x8f: {  	_ = 	snop  }
0x90: {  	s2 =	sld [smem:$0x3FC8]  }
0x91: {  	s18 =	sld [smem:$0x3FC7]  }
0x92: {  	s4 =	sld [smem:$0x3FD0];
	(tm) =	ssettm $0x1  }
0x93: {  	s5 =	sld [smem:$0x3FFB];
	_ =	sdelay $0x3  }
0x94: {  	_ =	strace s5  }
0x95: {  	s5 =	sld [smem:$0x3FFC];
	_ =	sdelay $0x3  }
0x96: {  	_ =	strace s5  }
0x97: {  	s5 =	sld [smem:$0x3FFD];
	_ =	sdelay $0x3  }
0x98: {  	_ =	strace s5  }
0x99: {  	_ =	strace $0x8FFFFFFF  }
0x9a: {  	s19 =	sld [smem:$0x3FDB];
	_ =	sdelay $0x1  }
0x9b: {  	s6 =	simm.s32 $_scs_section_size  }
0x9c: {  	s7 =	simm.s32 $_size__tile_overlayer_lowered;
	s8 =	simm.s32 $_tile_overlayer_lowered  }
0x9d: {  	s22 =	simm.s32 $0x1BFF;
	s21 =	sshll.u32 s8, $0x1;
	s5 =	sadd.s32 s6, s19  }
0x9e: {  	s9 =	simm.s32 $0x0;
	s20 =	sshll.u32 s7, $0x1;
	s7 =	sadd.s32 s21, s5  }
0x9f: {  	[timem:s9], [sflag:s22] =	dma.local [hbm:s7], s20  }
0xa0: {  	_ =	swait.ge [sflag:s22], s20  }
0xa1: {  	s6 =	ssub.s32 $0x0, s20;
	[sflag:s22] =	ssyncset.done $0x0  }
0xa2: {  	[sflag:s22] =	ssyncadd.s32 s6;
	_ =	sdelay $0x1  }
0xa3: {  	s23 =	simm.s32 $0x1B8B  }
0xa4: {  	_ =	swait.ge [sflag:s23], $0x1  }
0xa5: {  	[sflag:s23] =	ssyncset.done $0x0  }
0xa6: {  	s25 =	simm.s32 $0x1B8E;
	s24 =	sld [smem:$0x3FFE];
	[sflag:s23] =	ssyncadd.s32 $0xFFFFFFFF  }
0xa7: {  	s26 =	simm.s32 $execute0_lowered;
	[smem:$0x3FD2] =	sst s25  }
0xa8: {  	s7 =	sshll.u32 s26, $0x1;
	_ =	strace $0x80000046;
	[dreg:$0x1] =	wrdreg $0xFFFFFFFF  }
0xa9: {  	s28 =	simm.s32 $_size_execute0_lowered;
	s5 =	sadd.s32 s5, s7;
	[dreg:$0x0] =	wrdreg $0x0  }
0xaa: {  	s7 =	sshll.u32 s28, $0x1;
	[dreg:$0x2] =	wrdreg s5  }
0xab: {  	[dreg:$0x3] =	wrdreg s7  }
0xac: {  	[dreg:$0x4] =	wrdreg $0xC0  }
0xad: {  	_ =	task [dreg:s9], $0x5FFFF  }
0xae: {  	[dreg:$0x1] =	wrdreg $0xFFFFFFFF  }
0xaf: {  	[dreg:$0x0] =	wrdreg $0x60  }
0xb0: {  	[dreg:$0x2] =	wrdreg s24  }
0xb1: {  	[dreg:$0x3] =	wrdreg s2  }
0xb2: {  	[dreg:$0x4] =	wrdreg s18  }
0xb3: {  	[dreg:$0x5] =	wrdreg s4  }
0xb4: {  	[dreg:$0x6] =	wrdreg $0x46000  }
0xb5: {  	[dreg:$0x7] =	wrdreg $0x9  }
0xb6: {  	_ =	task.clear_ibuf [dreg:s9], $0x8FFFF;
	_ =	strace $0x90000046  }
0xb7: {  	s29 =	simm.s32 $0x9;
	_ =	strace $0x80000048  }
0xb8: {  	_ =	swait.ge [sflag:s29], $0x1  }
0xb9: {  	[sflag:s29] =	ssyncadd.s32 $0xFFFFFFFF  }
0xba: {  	_ =	strace $0x90000048  }
0xbb: {  	_ =	sfence  }
0xbc: {  	s30 =	sld [smem:$0x0];
	_ =	sdelay $0x2  }
0xbd: {  	s31 =	sshll.u32 s1, $0xD;
	s1 =	sshrl.u32 s1, $0x2  }
0xbe: {  	s3 =	sand.u32 $0x4000, s31;
	s1 =	sadd.s32 s1, s30  }
0xbf: {  	s0 =	sor.u32 s3, s0;
	s1 =	sshll.u32 s1, $0x11  }
0xc0: {  	s0 =	sor.u32 s1, s0  }
0xc1: {  	s0 =	sadd.s32 $0x8F2B, s0  }
0xc2: {  	[sflag:s0] =	ssyncadd.remote.s32 $0x1  }
0xc3: {  	_ =	sfence.sel $0xFFFF  }
0xc4: {  	[dreg:$0x0] =	wrdreg $0xFFFFFFFF;
	(pc) =	sbr.abs _section_cstart, $3  }
0xc5: {  	[dreg:$0x1] =	wrdreg $0xFFFFFFFF  }
0xc6: {  	_ =	task.clear_ibuf [dreg:s9], $0x2FFFF;
	_ =	strace $0x9FFFFFFF  }
0xc7: {  	(tm) =	ssettm $0x7FFFFFFF  }
tec
execute0_lowered:
.L_overlay_start_1:
0x0: {  	(tag) =	ssettag $0x1  }
0x1: {  	s5 =	rddreg [dreg:$0x0]  }
0x2: {  	s10 =	rddreg [dreg:$0x1]  }
0x3: {  	s9 =	rddreg [dreg:$0x2]  }
0x4: {  	s7 =	rddreg [dreg:$0x3]  }
0x5: {  	s1 =	rddreg [dreg:$0x4]  }
0x6: {  	s0 =	rddreg [dreg:$0x5]  }
0x7: {  	s3 =	simm.s32 $0x0;
	s2 =	srdreg.scid;
	s15 =	simm.s32 $0x600  }
0x8: {  	s16 =	simm.s32 $0x1600;
	s17 =	simm.s32 $0x100;
	s18 =	simm.s32 $0x2600  }
0x9: {  	s19 =	simm.s32 $0x180;
	s20 =	simm.s32 $0x3600;
	s21 =	simm.s32 $0x1  }
0xa: {  	s22 =	simm.s32 $0x400;
	s23 =	simm.s32 $0x480;
	s24 =	simm.s32 $0x500  }
0xb: {  	s26 =	simm.s32 $0x2;
	[smem:$0x7FF] =	sst s3;
	s4 =	sand.u32 $0x1, s2  }
0xc: {  	s28 =	simm.s32 $0x0;
	s2 =	stileid.u32;
	s25 =	smul.u32 $0xC380, s4  }
0xd: {  	_ =	strace $0x80000047;
	s6 =	ssub.s32 $0x2, s4;
	s8 =	smul.u32 $0x61C00, s2  }
0xe: {  	s4 =	sadd.s32 $0x186E00, s5;
	s12 =	smul.u32 $0xC38, s2;
	s5 =	sadd.s32 $0x400, s5  }
0xf: {  	s30 =	sshll.u32 s2, $0x6;
	s13 =	smul.u32 $0x3100, s2;
	s11 =	sshrl.u32 s6, $0x1  }
0x10: {  	s11 =	ssub.s32 s6, s11;
	s29 =	sshrl.u32 s8, $0x2;
	s12 =	sadd.s32 s12, s25  }
0x11: {  	s6 =	sor.u32 $0x1C03, s30;
	s9 =	sadd.s32 s13, s9;
	s10 =	sadd.s32 s13, s10  }
0x12: {  	s13 =	simm.s32 $0x200;
	v0 =	vmov s25;
	s25 =	simm.s32 $0x580;
	s14 =	sadd.s32 s29, s1  }
0x13: {  	s31 =	sshll.u32 s12, $0x2;
	s8 =	smax.u32 s11, $0x1;
	s12 =	simm.s32 $0x3  }
0x14: {  	s7 =	sadd.s32 s7, s31;
	s11 =	sshrl.u32 s14, $0x3;
	s14 =	simm.s32 $0x80  }
.LBB2_1:
0x15: {  	[spmem:s11], [sflag:s6] =	dma.local [hbm:s5], $0x30E0  }
0x16: {  	_ =	swait.ge [sflag:s12], $0x30E0  }
0x17: {  	[sflag:s12] =	ssyncset.done $0x0  }
0x18: {  	[sflag:s12] =	ssyncadd.s32 $0xFFFFCF20  }
0x19: {  	s29 =	sadd.s32 $0x0, s10;
	[bflag:$0x0] =	sbarrier.arrive $0xFFFF  }
0x1a: {  	[tilespmem:s3], [sflag:$0x3] =	stream.linear.gather [hbm4b:s29+s3], $0x200, $0x38;
	[tilespmem:$0x1CD10] =	vst v63  }
0x1b: {  	_ =	swait.ge [sflag:s12], $0x200  }
0x1c: {  	[sflag:s12] =	ssyncset.done $0x0  }
0x1d: {  	s29 =	sadd.s32 $0x0, s9;
	[sflag:s12] =	ssyncadd.s32 $0xFFFFFE00  }
0x1e: {  	[tilespmem:s13], [sflag:$0x3] =	stream.linear.gather [hbm4b:s29+s3], $0x200, $0x38;
	[tilespmem:$0x1CD10] =	vst v63  }
0x1f: {  	_ =	swait.ge [sflag:s12], $0x200  }
0x20: {  	[sflag:s12] =	ssyncset.done $0x0  }
0x21: {  	[sflag:s12] =	ssyncadd.s32 $0xFFFFFE00  }
0x22: {  	[tilespmem:s15], [sflag:$0x1] =	stream.indirect.gather [hbm4b:s4+s14], $0x20, s3, s14, $0xb8;
	[tilespmem:$0x1CD10] =	vst v63  }
0x23: {  	_ = 	snop  }
0x24: {  	[tilespmem:s16], [sflag:$0x1] =	stream.indirect.gather [hbm4b:s4+s14], $0x20, s14, s14, $0xb8;
	[tilespmem:$0x1CD10] =	vst v63  }
0x25: {  	_ = 	snop  }
0x26: {  	[tilespmem:s18], [sflag:$0x1] =	stream.indirect.gather [hbm4b:s4+s14], $0x20, s17, s14, $0xb8;
	[tilespmem:$0x1CD10] =	vst v63  }
0x27: {  	_ = 	snop  }
0x28: {  	[tilespmem:s20], [sflag:$0x1] =	stream.indirect.gather [hbm4b:s4+s14], $0x20, s19, s14, $0xb8;
	[tilespmem:$0x1CD10] =	vst v63  }
0x29: {  	v1 =	vld [tilespmem:$0x3F0]  }
0x2a: {  	v2 =	vld [tilespmem:$0x3B0]  }
0x2b: {  	v4 =	vld [tilespmem:$0x230]  }
0x2c: {  	v3 =	vld [tilespmem:$0x220]  }
0x2d: {  	v5 =	vld [tilespmem:$0x3E0]  }
0x2e: {  	v7 =	vld [tilespmem:$0x200]  }
0x2f: {  	v9 =	vld [tilespmem:$0x2B0]  }
0x30: {  	v10 =	vld [tilespmem:$0x210]  }
0x31: {  	v11 =	vld [tilespmem:$0x270]  }
0x32: {  	v14 =	vld [tilespmem:$0x290]  }
0x33: {  	v15 =	vld [tilespmem:$0x2A0]  }
0x34: {  	v16 =	vld [tilespmem:$0x260]  }
0x35: {  	v63 =	vimm.s32 $0x0;
	v23 =	vld [tilespmem:$0x330];
	v6 =	vsub.s32 v1, v0;
	v8 =	vsub.s32 v2, v0  }
0x36: {  	vm0 =	vlt.s32 v1, v0;
	vm8 =	vlt.s32 v3, v0;
	vm7 =	vlt.s32 v5, v0  }
0x37: {  	vm9 =	vlt.s32 v7, v0;
	v3 =	vsub.s32 v3, v0;
	v13 =	vsub.s32 v9, v0  }
0x38: {  	vm3 =	vlt.s32 v4, v0;
	vm4 =	vlt.s32 v10, v0;
	vm10 =	vlt.s32 v15, v0  }
0x39: {  	v22 =	vsub.s32 v15, v0;
	v15 =	vsub.s32 v16, v0;
	vm12 =	vlt.s32 v14, v0  }
0x3a: {  	vm13 =	vlt.s32 v11, v0;
	v20 =	vsub.s32 v23, v0;
	vm1 =	vlt.s32 v6, $0xC380  }
0x3b: {  	vm2 =	vlt.s32 v8, $0xC380;
	vm6 =	vlt.s32 v3, $0xC380;
	v1 =	vnsel vm1, $0xC380, v6  }
0x3c: {  	vm1 =	vlt.s32 v2, v0;
	v2 =	vnsel vm2, $0xC380, v8;
	v6 =	vld [tilespmem:$0x250];
	vm2 =	vlt.s32 v9, v0  }
0x3d: {  	v8 =	vsel vm0, $0xC380, v1;
	v12 =	vsel vm1, $0xC380, v2;
	v1 =	vsub.s32 v5, v0  }
0x3e: {  	v18 =	vld [tilespmem:$0x2C0];
	v2 =	vsub.s32 v7, v0;
	v7 =	vimm.s32 $0x0;
	vm0 =	vlt.s32 v1, $0xC380  }
0x3f: {  	v9 =	vsub.s32 v10, v0;
	v7 =	vsel vm0, $0xFFFFFFFF, v7;
	vm0 =	vlt.s32 v13, $0xC380  }
0x40: {  	v5 =	vld [tilespmem:$0x280];
	[tilespmem:$0x1FF90] =	vst v7;
	v7 =	vsub.s32 v4, v0;
	v4 =	vimm.s32 $0x0;
	v19 =	vnsel vm0, $0xC380, v13  }
0x41: {  	v13 =	vsub.s32 v14, v0;
	vm5 =	vlt.s32 v7, $0xC380;
	vm1 =	vlt.s32 v6, v0  }
0x42: {  	v21 =	vld [tilespmem:$0x2E0];
	v4 =	vsel vm6, $0xFFFFFFFF, v4;
	v14 =	vsel vm2, $0xC380, v19;
	vm6 =	vlt.s32 v15, $0xC380  }
0x43: {  	vm2 =	vlt.s32 v18, v0;
	[tilespmem:$0x1FFA0] =	vst v4;
	v4 =	vnsel vm5, $0xC380, v7;
	vm5 =	vlt.s32 v9, $0xC380  }
0x44: {  	v7 =	vsub.s32 v11, v0;
	v15 =	vnsel vm6, $0xC380, v15;
	v17 =	vsel vm3, $0xC380, v4  }
0x45: {  	v10 =	vld [tilespmem:$0x2D0];
	v4 =	vsub.s32 v6, v0;
	v6 =	vsub.s32 v5, v0;
	vm3 =	vlt.s32 v5, v0  }
0x46: {  	v19 =	vld [tilespmem:$0x320];
	v9 =	vnsel vm5, $0xC380, v9;
	vm0 =	vlt.s32 v6, $0xC380;
	vm6 =	vlt.s32 v4, $0xC380  }
0x47: {  	v5 =	vld [tilespmem:$0x310];
	v26 =	vsel vm4, $0xC380, v9;
	v9 =	vsub.s32 v18, v0;
	vm4 =	vlt.s32 v21, v0  }
0x48: {  	v21 =	vsub.s32 v21, v0;
	v6 =	vnsel vm0, $0xC380, v6;
	vm0 =	vlt.s32 v13, $0xC380  }
0x49: {  	v4 =	vnsel vm6, $0xC380, v4;
	vm5 =	vlt.s32 v21, $0xC380;
	v13 =	vnsel vm0, $0xC380, v13  }
0x4a: {  	vm0 =	vlt.s32 v10, v0;
	v6 =	vsel vm3, $0xC380, v6;
	v27 =	vsel vm1, $0xC380, v4;
	v4 =	vld [tilespmem:$0x340]  }
0x4b: {  	v24 =	vld [tilespmem:$0x300];
	vm3 =	vlt.s32 v16, v0;
	v16 =	vsub.s32 v10, v0;
	v10 =	vsub.s32 v19, v0  }
0x4c: {  	[tilespmem:$0x5B0] =	vst v12;
	v12 =	vld [tilespmem:$0x370];
	v25 =	vsel vm3, $0xC380, v15;
	v15 =	vimm.s32 $0x0;
	vm11 =	vlt.s32 v5, v0  }
0x4d: {  	[tilespmem:$0x5F0] =	vst v8;
	v15 =	vsel vm4, $0xFFFFFFFF, v15;
	vm4 =	vlt.s32 v10, $0xC380;
	v5 =	vsub.s32 v5, v0  }
0x4e: {  	v29 =	vld [tilespmem:$0x390];
	[tilespmem:$0x4B0] =	vst v14;
	v28 =	vnsel vm4, $0xC380, v10;
	vm4 =	vlt.s32 v5, $0xC380;
	v10 =	vnsel vm5, $0xC380, v21  }
0x4f: {  	[tilespmem:$0x430] =	vst v17;
	v18 =	vnsel vm4, $0xC380, v5;
	v5 =	vimm.s32 $0x0;
	vm5 =	vlt.s32 v4, v0  }
0x50: {  	v11 =	vsub.s32 v24, v0;
	[tilespmem:$0x410] =	vst v26;
	vm4 =	vlt.s32 v9, $0xC380;
	v5 =	vsel vm5, $0xFFFFFFFF, v5  }
0x51: {  	v8 =	vld [tilespmem:$0x2F0];
	vm15 =	vlt.s32 v12, v0;
	[tilespmem:$0x1FFC0] =	vst v5;
	v5 =	vnsel vm4, $0xC380, v9;
	vm4 =	vlt.s32 v16, $0xC380  }
0x52: {  	vm1 =	vlt.s32 v7, $0xC380;
	vm3 =	vlt.s32 v22, $0xC380;
	[tilespmem:$0x480] =	vst v6;
	v14 =	vnsel vm4, $0xC380, v16;
	v16 =	vld [tilespmem:$0x240]  }
0x53: {  	[tilespmem:$0x450] =	vst v27;
	v22 =	vnsel vm3, $0xC380, v22;
	vm3 =	vlt.s32 v29, v0;
	v21 =	vsub.s32 v29, v0  }
0x54: {  	[tilespmem:$0x1FFB0] =	vst v15;
	v15 =	vld [tilespmem:$0x350];
	v9 =	vimm.s32 $0x0;
	vm4 =	vlt.s32 v23, v0;
	v30 =	vsel vm2, $0xC380, v5  }
0x55: {  	v6 =	vld [tilespmem:$0x3A0];
	[tilespmem:$0x460] =	vst v25;
	v5 =	vimm.s32 $0x0;
	v9 =	vsel vm4, $0xFFFFFFFF, v9;
	vm4 =	vlt.s32 v19, v0  }
0x56: {  	v17 =	vsel vm0, $0xC380, v14;
	v19 =	vld [tilespmem:$0x380];
	v14 =	vsub.s32 v8, v0;
	vm0 =	vlt.s32 v8, v0;
	[tilespmem:$0x4C0] =	vst v30  }
0x57: {  	v8 =	vld [tilespmem:$0x3C0];
	[tilespmem:$0x1FFD0] =	vst v9;
	v5 =	vsel vm0, $0xFFFFFFFF, v5;
	v23 =	vsel vm4, $0xC380, v28;
	vm4 =	vlt.s32 v16, v0  }
0x58: {  	vm5 =	vlt.s32 v20, $0xC380;
	v9 =	vld [tilespmem:$0x360];
	vm0 =	vlt.s32 v24, v0;
	[tilespmem:$0x1FFE0] =	vst v5;
	v24 =	vsel vm4, $0xFFFFFFFF, v63  }
0x59: {  	s29 =	simm.s32 $0x40;
	vm2 =	vlt.s32 v15, v0;
	vm14 =	vlt.s32 v14, $0xC380;
	v5 =	vld [tilespmem:$0x3D0];
	vm4 =	vlt.s32 v11, $0xC380;
	[tilespmem:$0x1FFF0] =	vst v24  }
.LBB2_2:
0x5a: {  	v7 =	vnsel vm1, $0xC380, v7;
	v13 =	vsel vm12, $0xC380, v13  }
0x5b: {  	v7 =	vsel vm13, $0xC380, v7;
	[tilespmem:$0x490] =	vst v13;
	v13 =	vld [tilespmem:$0x1FFA0]  }
0x5c: {  	[tilespmem:$0x470] =	vst v7;
	v7 =	vld [tilespmem:$0x1FF90]  }
0x5d: {  	v22 =	vsel vm10, $0xC380, v22  }
0x5e: {  	vm1 =	vlt.s32 v2, $0xC380;
	v11 =	vnsel vm4, $0xC380, v11;
	v12 =	vsub.s32 v12, v0  }
0x5f: {  	vm10 =	vlt.s32 v21, $0xC380;
	v11 =	vsel vm0, $0xC380, v11;
	vm0 =	vlt.s32 v12, $0xC380  }
0x60: {  	v2 =	vnsel vm1, $0xC380, v2;
	[tilespmem:$0x500] =	vst v11;
	v11 =	vnsel vm0, $0xC380, v12;
	vm1 =	vnez.u8 v13  }
0x61: {  	vm6 =	vlt.s32 v19, v0;
	v3 =	vnsel vm1, $0xC380, v3;
	vm1 =	vnez.u8 v7  }
0x62: {  	v13 =	vsub.s32 v15, v0;
	v15 =	vsub.s32 v19, v0;
	v1 =	vnsel vm1, $0xC380, v1  }
0x63: {  	v7 =	vnsel vm5, $0xC380, v20;
	vm5 =	vlt.s32 v13, $0xC380;
	v1 =	vsel vm7, $0xC380, v1  }
0x64: {  	v3 =	vsel vm8, $0xC380, v3;
	[tilespmem:$0x5E0] =	vst v1;
	v1 =	vnsel vm5, $0xC380, v13;
	vm5 =	vlt.s32 v15, $0xC380  }
0x65: {  	[tilespmem:$0x420] =	vst v3;
	v13 =	vnsel vm10, $0xC380, v21;
	v1 =	vsel vm2, $0xC380, v1;
	v3 =	vnsel vm5, $0xC380, v15  }
0x66: {  	vm0 =	vlt.s32 v9, v0;
	[tilespmem:$0x550] =	vst v1;
	v1 =	vsel vm6, $0xC380, v3;
	v3 =	vsel vm3, $0xC380, v13  }
0x67: {  	[tilespmem:$0x590] =	vst v3;
	v3 =	vsub.s32 v4, v0;
	v4 =	vsub.s32 v9, v0;
	v9 =	vsel vm15, $0xC380, v11;
	v11 =	vld [tilespmem:$0x1FFB0];
	_ =	sdelay $0x2  }
0x68: {  	vm3 =	vlt.s32 v4, $0xC380  }
0x69: {  	v4 =	vnsel vm3, $0xC380, v4  }
0x6a: {  	v4 =	vsel vm0, $0xC380, v4;
	vm0 =	vnez.u8 v11;
	v11 =	vld [tilespmem:$0x1FFD0];
	_ =	sdelay $0x4  }
0x6b: {  	v2 =	vsel vm9, $0xC380, v2;
	v10 =	vsel vm0, $0xC380, v10;
	vm0 =	vnez.u8 v11;
	v11 =	vld [tilespmem:$0x1FFC0]  }
0x6c: {  	[tilespmem:$0x400] =	vst v2;
	v2 =	vsub.s32 v16, v0  }
0x6d: {  	vm1 =	vlt.s32 v2, $0xC380  }
0x6e: {  	[tilespmem:$0x520] =	vst v23;
	v2 =	vnsel vm1, $0xC380, v2  }
0x6f: {  	[tilespmem:$0x4D0] =	vst v17;
	vm1 =	vlt.s32 v5, v0;
	vm2 =	vlt.s32 v3, $0xC380;
	v7 =	vsel vm0, $0xC380, v7  }
0x70: {  	[tilespmem:$0x530] =	vst v7;
	v7 =	vsub.s32 v6, v0;
	vm0 =	vnez.u8 v11;
	v11 =	vsub.s32 v5, v0;
	v5 =	vld [tilespmem:$0x1FFF0]  }
0x71: {  	[tilespmem:$0x570] =	vst v9;
	v9 =	vsub.s32 v8, v0;
	v3 =	vnsel vm2, $0xC380, v3;
	vm2 =	vlt.s32 v7, $0xC380  }
0x72: {  	vm3 =	vlt.s32 v9, $0xC380;
	[tilespmem:$0x560] =	vst v4;
	v4 =	vnsel vm2, $0xC380, v7;
	vm2 =	vlt.s32 v8, v0  }
0x73: {  	[tilespmem:$0x4A0] =	vst v22;
	v3 =	vsel vm0, $0xC380, v3;
	vm0 =	vlt.s32 v6, v0;
	v6 =	vnsel vm3, $0xC380, v9  }
0x74: {  	[tilespmem:$0x540] =	vst v3;
	v3 =	vsel vm0, $0xC380, v4;
	v4 =	vsel vm2, $0xC380, v6;
	vm0 =	vlt.s32 v11, $0xC380  }
0x75: {  	v13 =	vsel vm11, $0xC380, v18;
	[tilespmem:$0x5C0] =	vst v4;
	v4 =	vnsel vm0, $0xC380, v11;
	vm0 =	vnez.u8 v5;
	v5 =	vld [tilespmem:$0x1FFE0]  }
0x76: {  	[tilespmem:$0x510] =	vst v13  }
0x77: {  	[tilespmem:$0x580] =	vst v1  }
0x78: {  	[tilespmem:$0x4E0] =	vst v10  }
0x79: {  	[tilespmem:$0x5A0] =	vst v3;
	v3 =	vsel vm1, $0xC380, v4  }
0x7a: {  	v1 =	vnsel vm14, $0xC380, v14;
	[tilespmem:$0x5D0] =	vst v3;
	v2 =	vsel vm0, $0xC380, v2;
	vm0 =	vnez.u8 v5  }
0x7b: {  	[tilespmem:$0x440] =	vst v2;
	v1 =	vsel vm0, $0xC380, v1  }
0x7c: {  	[tilespmem:$0x4F0] =	vst v1  }
0x7d: {  	_ =	swait.ge [sflag:s21], $0x1000  }
0x7e: {  	[sflag:s21] =	ssyncset.done $0x0  }
0x7f: {  	[sflag:s21] =	ssyncadd.s32 $0xFFFFF000  }
0x80: {  	_ =	swait.ge [sflag:s21], $0x1000  }
0x81: {  	[sflag:s21] =	ssyncset.done $0x0  }
0x82: {  	[sflag:s21] =	ssyncadd.s32 $0xFFFFF000  }
0x83: {  	_ =	swait.ge [sflag:s21], $0x1000  }
0x84: {  	[sflag:s21] =	ssyncset.done $0x0  }
0x85: {  	[sflag:s21] =	ssyncadd.s32 $0xFFFFF000  }
0x86: {  	_ =	swait.ge [sflag:s21], $0x1000  }
0x87: {  	[sflag:s21] =	ssyncset.done $0x0  }
0x88: {  	[sflag:s21] =	ssyncadd.s32 $0xFFFFF000  }
0x89: {  	[spmem:s1] =	stream.indirect.scatter.add.f32 [tilespmem:s15], [sflag:$0x2], $0x20, s22, s14, $0xb8;
	[tilespmem:$0x1CD10] =	vst v63  }
0x8a: {  	_ = 	snop  }
0x8b: {  	[spmem:s1] =	stream.indirect.scatter.add.f32 [tilespmem:s16], [sflag:$0x2], $0x20, s23, s14, $0xb8;
	[tilespmem:$0x1CD10] =	vst v63  }
0x8c: {  	_ = 	snop  }
0x8d: {  	[spmem:s1] =	stream.indirect.scatter.add.f32 [tilespmem:s18], [sflag:$0x2], $0x20, s24, s14, $0xb8;
	[tilespmem:$0x1CD10] =	vst v63  }
0x8e: {  	_ = 	snop  }
0x8f: {  	[spmem:s1] =	stream.indirect.scatter.add.f32 [tilespmem:s20], [sflag:$0x2], $0x20, s25, s14, $0xb8;
	[tilespmem:$0x1CD10] =	vst v63  }
0x90: {  	_ =	swait.ge [sflag:s26], $0x1000  }
0x91: {  	[sflag:s26] =	ssyncset.done $0x0  }
0x92: {  	[sflag:s26] =	ssyncadd.s32 $0xFFFFF000  }
0x93: {  	_ =	swait.ge [sflag:s26], $0x1000  }
0x94: {  	[sflag:s26] =	ssyncset.done $0x0  }
0x95: {  	[sflag:s26] =	ssyncadd.s32 $0xFFFFF000  }
0x96: {  	_ =	swait.ge [sflag:s26], $0x1000  }
0x97: {  	[sflag:s26] =	ssyncset.done $0x0  }
0x98: {  	[sflag:s26] =	ssyncadd.s32 $0xFFFFF000  }
0x99: {  	_ =	swait.ge [sflag:s26], $0x1000  }
0x9a: {  	s30 =	smov.u32 s29;
	[sflag:s26] =	ssyncset.done $0x0  }
0x9b: {  	s31 =	sadd.s32 s30, s10;
	[sflag:s26] =	ssyncadd.s32 $0xFFFFF000  }
0x9c: {  	[tilespmem:s3], [sflag:$0x3] =	stream.linear.gather [hbm4b:s31+s3], $0x200, $0x38;
	[tilespmem:$0x1CD10] =	vst v63  }
0x9d: {  	_ =	swait.ge [sflag:s12], $0x200  }
0x9e: {  	[sflag:s12] =	ssyncset.done $0x0  }
0x9f: {  	s30 =	sadd.s32 s30, s9;
	[sflag:s12] =	ssyncadd.s32 $0xFFFFFE00  }
0xa0: {  	[tilespmem:s13], [sflag:$0x3] =	stream.linear.gather [hbm4b:s30+s3], $0x200, $0x38;
	[tilespmem:$0x1CD10] =	vst v63  }
0xa1: {  	_ =	swait.ge [sflag:s12], $0x200  }
0xa2: {  	[sflag:s12] =	ssyncset.done $0x0  }
0xa3: {  	[sflag:s12] =	ssyncadd.s32 $0xFFFFFE00  }
0xa4: {  	[tilespmem:s15], [sflag:$0x1] =	stream.indirect.gather [hbm4b:s4+s14], $0x20, s3, s14, $0xb8;
	[tilespmem:$0x1CD10] =	vst v63  }
0xa5: {  	_ = 	snop  }
0xa6: {  	[tilespmem:s16], [sflag:$0x1] =	stream.indirect.gather [hbm4b:s4+s14], $0x20, s14, s14, $0xb8;
	[tilespmem:$0x1CD10] =	vst v63  }
0xa7: {  	_ = 	snop  }
0xa8: {  	[tilespmem:s18], [sflag:$0x1] =	stream.indirect.gather [hbm4b:s4+s14], $0x20, s17, s14, $0xb8;
	[tilespmem:$0x1CD10] =	vst v63  }
0xa9: {  	_ = 	snop  }
0xaa: {  	[tilespmem:s20], [sflag:$0x1] =	stream.indirect.gather [hbm4b:s4+s14], $0x20, s19, s14, $0xb8;
	[tilespmem:$0x1CD10] =	vst v63  }
0xab: {  	v1 =	vld [tilespmem:$0x3F0]  }
0xac: {  	v2 =	vld [tilespmem:$0x3B0]  }
0xad: {  	v4 =	vld [tilespmem:$0x230]  }
0xae: {  	v5 =	vld [tilespmem:$0x210]  }
0xaf: {  	v9 =	vld [tilespmem:$0x2B0]  }
0xb0: {  	v12 =	vld [tilespmem:$0x270]  }
0xb1: {  	v16 =	vld [tilespmem:$0x2C0];
	_ =	sdelay $0x1  }
0xb2: {  	v19 =	vimm.s32 $0x0;
	v7 =	vsub.s32 v1, v0;
	vm0 =	vlt.s32 v1, v0  }
0xb3: {  	v3 =	vld [tilespmem:$0x220];
	v1 =	vsub.s32 v2, v0;
	v13 =	vsub.s32 v9, v0;
	vm3 =	vlt.s32 v9, v0  }
0xb4: {  	v14 =	vsub.s32 v5, v0;
	vm5 =	vlt.s32 v4, v0;
	vm13 =	vlt.s32 v12, v0  }
0xb5: {  	v6 =	vld [tilespmem:$0x3E0];
	v27 =	vsub.s32 v16, v0;
	vm1 =	vlt.s32 v7, $0xC380;
	vm2 =	vlt.s32 v1, $0xC380  }
0xb6: {  	v8 =	vld [tilespmem:$0x200];
	vm4 =	vlt.s32 v13, $0xC380;
	v7 =	vnsel vm1, $0xC380, v7;
	vm1 =	vlt.s32 v2, v0  }
0xb7: {  	v10 =	vld [tilespmem:$0x250];
	v1 =	vnsel vm2, $0xC380, v1;
	v18 =	vnsel vm4, $0xC380, v13;
	v2 =	vsel vm0, $0xC380, v7  }
0xb8: {  	v9 =	vld [tilespmem:$0x2A0];
	v1 =	vsel vm1, $0xC380, v1;
	vm0 =	vlt.s32 v3, v0;
	[tilespmem:$0x5F0] =	vst v2;
	v2 =	vimm.s32 $0x0  }
0xb9: {  	v7 =	vimm.s32 $0x0;
	vm1 =	vlt.s32 v5, v0;
	v5 =	vld [tilespmem:$0x2D0];
	[tilespmem:$0x5B0] =	vst v1;
	v2 =	vsel vm0, $0xFFFFFFFF, v2  }
0xba: {  	v1 =	vsub.s32 v6, v0;
	vm0 =	vlt.s32 v6, v0;
	[tilespmem:$0x1FF60] =	vst v2;
	v2 =	vimm.s32 $0x0  }
0xbb: {  	v11 =	vld [tilespmem:$0x260];
	v6 =	vimm.s32 $0x0;
	v2 =	vsel vm0, $0xFFFFFFFF, v2;
	vm0 =	vlt.s32 v8, v0  }
0xbc: {  	v3 =	vsub.s32 v3, v0;
	[tilespmem:$0x1FF80] =	vst v2;
	v2 =	vsub.s32 v8, v0;
	v6 =	vsel vm0, $0xFFFFFFFF, v6;
	v8 =	vld [tilespmem:$0x290]  }
0xbd: {  	vm6 =	vlt.s32 v3, $0xC380;
	v23 =	vsub.s32 v9, v0;
	vm0 =	vlt.s32 v1, $0xC380;
	[tilespmem:$0x1FF70] =	vst v6;
	v6 =	vld [tilespmem:$0x280]  }
0xbe: {  	v26 =	vsub.s32 v5, v0;
	v7 =	vsel vm0, $0xFFFFFFFF, v7;
	vm0 =	vlt.s32 v10, v0  }
0xbf: {  	v10 =	vsub.s32 v10, v0;
	[tilespmem:$0x1FF90] =	vst v7;
	v7 =	vsub.s32 v4, v0;
	v4 =	vimm.s32 $0x0  }
0xc0: {  	vm2 =	vlt.s32 v7, $0xC380;
	v4 =	vsel vm6, $0xFFFFFFFF, v4;
	vm6 =	vlt.s32 v11, v0  }
0xc1: {  	v22 =	vld [tilespmem:$0x300];
	[tilespmem:$0x1FFA0] =	vst v4;
	v4 =	vnsel vm2, $0xC380, v7;
	vm2 =	vlt.s32 v14, $0xC380;
	v7 =	vsub.s32 v12, v0  }
0xc2: {  	v4 =	vsel vm5, $0xC380, v4;
	v13 =	vsub.s32 v8, v0;
	v15 =	vsub.s32 v6, v0  }
0xc3: {  	v21 =	vld [tilespmem:$0x2F0];
	vm5 =	vlt.s32 v9, v0;
	vm12 =	vlt.s32 v8, v0;
	vm4 =	vlt.s32 v15, $0xC380  }
0xc4: {  	v25 =	vld [tilespmem:$0x320];
	v19 =	vsel vm5, $0xFFFFFFFF, v19;
	[tilespmem:$0x430] =	vst v4;
	vm5 =	vlt.s32 v6, v0;
	v4 =	vnsel vm4, $0xC380, v15  }
0xc5: {  	v8 =	vsel vm3, $0xC380, v18;
	v6 =	vsub.s32 v11, v0;
	v9 =	vsel vm5, $0xC380, v4;
	v4 =	vld [tilespmem:$0x340]  }
0xc6: {  	v18 =	vld [tilespmem:$0x330];
	[tilespmem:$0x4B0] =	vst v8;
	v8 =	vnsel vm2, $0xC380, v14;
	v11 =	vsub.s32 v22, v0;
	vm3 =	vlt.s32 v6, $0xC380  }
0xc7: {  	v17 =	vld [tilespmem:$0x2E0];
	vm4 =	vlt.s32 v13, $0xC380;
	v6 =	vnsel vm3, $0xC380, v6;
	vm3 =	vlt.s32 v10, $0xC380  }
0xc8: {  	v24 =	vld [tilespmem:$0x310];
	v13 =	vnsel vm4, $0xC380, v13;
	vm4 =	vlt.s32 v5, v0;
	vm5 =	vlt.s32 v16, v0  }
0xc9: {  	v10 =	vnsel vm3, $0xC380, v10;
	v5 =	vsel vm1, $0xC380, v8;
	vm3 =	vlt.s32 v21, v0  }
0xca: {  	v16 =	vld [tilespmem:$0x240];
	v8 =	vsel vm0, $0xC380, v10;
	[tilespmem:$0x410] =	vst v5;
	v5 =	vimm.s32 $0x0;
	vm0 =	vlt.s32 v4, v0  }
0xcb: {  	v10 =	vsub.s32 v25, v0;
	v20 =	vsub.s32 v18, v0;
	v5 =	vsel vm0, $0xFFFFFFFF, v5  }
0xcc: {  	vm2 =	vlt.s32 v18, v0;
	vm0 =	vlt.s32 v17, v0;
	[tilespmem:$0x1FFC0] =	vst v5;
	v5 =	vimm.s32 $0x0  }
0xcd: {  	v18 =	vsub.s32 v24, v0;
	v5 =	vsel vm0, $0xFFFFFFFF, v5;
	vm0 =	vlt.s32 v10, $0xC380  }
0xce: {  	v28 =	vld [tilespmem:$0x390];
	v17 =	vsub.s32 v17, v0;
	v60 =	vnsel vm0, $0xC380, v10;
	v10 =	vimm.s32 $0x0  }
0xcf: {  	v12 =	vld [tilespmem:$0x370];
	vm10 =	vlt.s32 v16, v0;
	vm8 =	vlt.s32 v17, $0xC380;
	v10 =	vsel vm3, $0xFFFFFFFF, v10  }
0xd0: {  	v15 =	vld [tilespmem:$0x350];
	vm0 =	vlt.s32 v18, $0xC380;
	[tilespmem:$0x1FFE0] =	vst v10;
	v10 =	vnsel vm8, $0xC380, v17;
	v17 =	vimm.s32 $0x0  }
0xd1: {  	[tilespmem:$0x1FF50] =	vst v19;
	v18 =	vnsel vm0, $0xC380, v18;
	vm0 =	vlt.s32 v22, v0;
	v22 =	vld [tilespmem:$0x1FF60];
	v17 =	vsel vm10, $0xFFFFFFFF, v17  }
0xd2: {  	vm11 =	vlt.s32 v24, v0;
	vm7 =	vlt.s32 v25, v0;
	v14 =	vsub.s32 v21, v0;
	[tilespmem:$0x1FFF0] =	vst v17;
	v17 =	vld [tilespmem:$0x1FF50]  }
0xd3: {  	vm9 =	vlt.s32 v26, $0xC380;
	v61 =	vld [tilespmem:$0x1FF70];
	vm14 =	vlt.s32 v14, $0xC380;
	v6 =	vsel vm6, $0xC380, v6  }
0xd4: {  	vm6 =	vlt.s32 v23, $0xC380;
	vm1 =	vlt.s32 v7, $0xC380;
	[tilespmem:$0x1FFB0] =	vst v5;
	v5 =	vimm.s32 $0x0  }
0xd5: {  	p0 =	sne.s32 s29, $0x30C0;
	v63 =	vld [tilespmem:$0x1FF80];
	v21 =	vsub.s32 v28, v0;
	vm15 =	vlt.s32 v12, v0;
	v5 =	vsel vm2, $0xFFFFFFFF, v5  }
.Ltmp0:
0xd6: {  	v19 =	vld [tilespmem:$0x380];
	[tilespmem:$0x480] =	vst v9;
	vm2 =	vlt.s32 v15, v0;
	vm3 =	vlt.s32 v28, v0;
	vm8 =	vlt.s32 v27, $0xC380;
	(pc) =	sbr.rel @p0 .LBB2_2-.Ltmp0, $4  }
0xd7: {  	v9 =	vld [tilespmem:$0x360];
	[tilespmem:$0x460] =	vst v6;
	vm10 =	vnez.u8 v17;
	v17 =	vnsel vm8, $0xC380, v27;
	vm8 =	vnez.u8 v22  }
0xd8: {  	v6 =	vld [tilespmem:$0x3A0];
	[tilespmem:$0x450] =	vst v8;
	v22 =	vnsel vm9, $0xC380, v26;
	vm9 =	vnez.u8 v61;
	v62 =	vsel vm5, $0xC380, v17  }
0xd9: {  	v8 =	vld [tilespmem:$0x3C0];
	[tilespmem:$0x1FFD0] =	vst v5;
	v17 =	vsel vm4, $0xC380, v22;
	vm4 =	vlt.s32 v11, $0xC380;
	v22 =	vnsel vm6, $0xC380, v23  }
0xda: {  	s29 =	sadd.s32 $0x40, s29;
	v5 =	vld [tilespmem:$0x3D0];
	v23 =	vsel vm7, $0xC380, v60;
	vm7 =	vnez.u8 v63;
	vm5 =	vlt.s32 v20, $0xC380;
	[tilespmem:$0x4C0] =	vst v62  }
0xdb: {  	v7 =	vnsel vm1, $0xC380, v7;
	v13 =	vsel vm12, $0xC380, v13;
	v22 =	vsel vm10, $0xC380, v22;
	v51 =	vld [tilespmem:$0x1FF90]  }
0xdc: {  	vm12 =	vlt.s32 v2, $0xC380;
	v50 =	vld [tilespmem:$0x1FFA0];
	v52 =	vsub.s32 v15, v0;
	v53 =	vnsel vm5, $0xC380, v20  }
0xdd: {  	[tilespmem:$0x520] =	vst v23;
	vm10 =	vlt.s32 v19, v0;
	v55 =	vsub.s32 v12, v0;
	v2 =	vnsel vm12, $0xC380, v2  }
0xde: {  	v4 =	vsub.s32 v4, v0;
	[tilespmem:$0x4D0] =	vst v17;
	v60 =	vsub.s32 v16, v0;
	v2 =	vsel vm9, $0xC380, v2  }
0xdf: {  	v7 =	vsel vm13, $0xC380, v7;
	v57 =	vsub.s32 v6, v0;
	[tilespmem:$0x400] =	vst v2;
	v2 =	vsub.s32 v19, v0  }
0xe0: {  	[tilespmem:$0x490] =	vst v13;
	v58 =	vsub.s32 v8, v0;
	vm9 =	vlt.s32 v2, $0xC380;
	vm6 =	vnez.u8 v51  }
0xe1: {  	[tilespmem:$0x4A0] =	vst v22;
	v61 =	vsub.s32 v5, v0;
	vm13 =	vnez.u8 v50;
	v1 =	vnsel vm6, $0xC380, v1  }
0xe2: {  	v59 =	vld [tilespmem:$0x1FFC0];
	[tilespmem:$0x470] =	vst v7;
	v3 =	vnsel vm13, $0xC380, v3;
	v1 =	vsel vm7, $0xC380, v1;
	vm7 =	vlt.s32 v52, $0xC380  }
0xe3: {  	v2 =	vnsel vm9, $0xC380, v2;
	v3 =	vsel vm8, $0xC380, v3;
	[tilespmem:$0x5E0] =	vst v1;
	v1 =	vnsel vm7, $0xC380, v52  }
0xe4: {  	vm9 =	vlt.s32 v8, v0;
	[tilespmem:$0x420] =	vst v3;
	v3 =	vnsel vm4, $0xC380, v11;
	v1 =	vsel vm2, $0xC380, v1  }
0xe5: {  	v56 =	vld [tilespmem:$0x1FFD0];
	v3 =	vsel vm0, $0xC380, v3;
	[tilespmem:$0x550] =	vst v1;
	v1 =	vsel vm11, $0xC380, v18;
	vm11 =	vlt.s32 v55, $0xC380  }
0xe6: {  	v2 =	vsel vm10, $0xC380, v2;
	vm13 =	vlt.s32 v4, $0xC380;
	[tilespmem:$0x500] =	vst v3;
	v3 =	vnsel vm11, $0xC380, v55  }
0xe7: {  	v62 =	vld [tilespmem:$0x1FFE0];
	vm6 =	vnez.u8 v59;
	vm10 =	vlt.s32 v6, v0;
	[tilespmem:$0x580] =	vst v2;
	v3 =	vsel vm15, $0xC380, v3  }
0xe8: {  	vm8 =	vlt.s32 v21, $0xC380;
	v2 =	vnsel vm14, $0xC380, v14;
	v4 =	vnsel vm13, $0xC380, v4;
	[tilespmem:$0x570] =	vst v3;
	v3 =	vld [tilespmem:$0x1FFB0]  }
0xe9: {  	v54 =	vnsel vm8, $0xC380, v21;
	v4 =	vsel vm6, $0xC380, v4;
	[tilespmem:$0x510] =	vst v1;
	v1 =	vsub.s32 v9, v0  }
0xea: {  	vm4 =	vnez.u8 v56;
	v7 =	vsel vm3, $0xC380, v54;
	[tilespmem:$0x540] =	vst v4;
	vm12 =	vlt.s32 v1, $0xC380  }
0xeb: {  	v63 =	vld [tilespmem:$0x1FFF0];
	[tilespmem:$0x590] =	vst v7;
	v7 =	vsel vm4, $0xC380, v53;
	vm15 =	vlt.s32 v9, v0;
	v1 =	vnsel vm12, $0xC380, v1  }
0xec: {  	vm13 =	vlt.s32 v61, $0xC380;
	[tilespmem:$0x530] =	vst v7;
	vm12 =	vnez.u8 v62;
	v1 =	vsel vm15, $0xC380, v1  }
0xed: {  	vm8 =	vlt.s32 v58, $0xC380;
	v2 =	vsel vm12, $0xC380, v2;
	[tilespmem:$0x560] =	vst v1;
	vm5 =	vnez.u8 v3  }
0xee: {  	vm7 =	vlt.s32 v57, $0xC380;
	v1 =	vnsel vm8, $0xC380, v58;
	[tilespmem:$0x4F0] =	vst v2;
	v3 =	vsel vm5, $0xC380, v10  }
0xef: {  	vm11 =	vlt.s32 v60, $0xC380;
	v1 =	vsel vm9, $0xC380, v1;
	[tilespmem:$0x4E0] =	vst v3;
	v3 =	vnsel vm7, $0xC380, v57  }
0xf0: {  	vm14 =	vnez.u8 v63;
	[tilespmem:$0x5C0] =	vst v1;
	v1 =	vnsel vm11, $0xC380, v60;
	v3 =	vsel vm10, $0xC380, v3  }
0xf1: {  	vm15 =	vlt.s32 v5, v0;
	v1 =	vsel vm14, $0xC380, v1;
	[tilespmem:$0x5A0] =	vst v3;
	v3 =	vnsel vm13, $0xC380, v61  }
0xf2: {  	[tilespmem:$0x440] =	vst v1;
	v2 =	vsel vm15, $0xC380, v3  }
0xf3: {  	[tilespmem:$0x5D0] =	vst v2  }
0xf4: {  	_ =	swait.ge [sflag:s21], $0x1000  }
0xf5: {  	[sflag:s21] =	ssyncset.done $0x0  }
0xf6: {  	[sflag:s21] =	ssyncadd.s32 $0xFFFFF000  }
0xf7: {  	_ =	swait.ge [sflag:s21], $0x1000  }
0xf8: {  	[sflag:s21] =	ssyncset.done $0x0  }
0xf9: {  	[sflag:s21] =	ssyncadd.s32 $0xFFFFF000  }
0xfa: {  	_ =	swait.ge [sflag:s21], $0x1000  }
0xfb: {  	[sflag:s21] =	ssyncset.done $0x0  }
0xfc: {  	[sflag:s21] =	ssyncadd.s32 $0xFFFFF000  }
0xfd: {  	_ =	swait.ge [sflag:s21], $0x1000  }
0xfe: {  	[sflag:s21] =	ssyncset.done $0x0  }
0xff: {  	[sflag:s21] =	ssyncadd.s32 $0xFFFFF000  }
0x100: {  	[spmem:s1] =	stream.indirect.scatter.add.f32 [tilespmem:s15], [sflag:$0x2], $0x20, s22, s14, $0xb8;
	[tilespmem:$0x1CD10] =	vst v63  }
0x101: {  	_ = 	snop  }
0x102: {  	[spmem:s1] =	stream.indirect.scatter.add.f32 [tilespmem:s16], [sflag:$0x2], $0x20, s23, s14, $0xb8;
	[tilespmem:$0x1CD10] =	vst v63  }
0x103: {  	_ = 	snop  }
0x104: {  	[spmem:s1] =	stream.indirect.scatter.add.f32 [tilespmem:s18], [sflag:$0x2], $0x20, s24, s14, $0xb8;
	[tilespmem:$0x1CD10] =	vst v63  }
0x105: {  	_ = 	snop  }
0x106: {  	[spmem:s1] =	stream.indirect.scatter.add.f32 [tilespmem:s20], [sflag:$0x2], $0x20, s25, s14, $0xb8;
	[tilespmem:$0x1CD10] =	vst v63  }
0x107: {  	_ =	swait.ge [sflag:s26], $0x1000  }
0x108: {  	[sflag:s26] =	ssyncset.done $0x0  }
0x109: {  	[sflag:s26] =	ssyncadd.s32 $0xFFFFF000  }
0x10a: {  	_ =	swait.ge [sflag:s26], $0x1000  }
0x10b: {  	[sflag:s26] =	ssyncset.done $0x0  }
0x10c: {  	[sflag:s26] =	ssyncadd.s32 $0xFFFFF000  }
0x10d: {  	_ =	swait.ge [sflag:s26], $0x1000  }
0x10e: {  	[sflag:s26] =	ssyncset.done $0x0  }
0x10f: {  	[sflag:s26] =	ssyncadd.s32 $0xFFFFF000  }
0x110: {  	_ =	swait.ge [sflag:s26], $0x1000  }
0x111: {  	s28 =	sadd.s32 $0x1, s28;
	[sflag:s26] =	ssyncset.done $0x0  }
0x112: {  	p0 =	sne.s32 s28, s8;
	[sflag:s26] =	ssyncadd.s32 $0xFFFFF000  }
.Ltmp1:
0x113: {  	[bflag:$0x0] =	sbarrier.arrive $0xFFFF;
	(pc) =	sbr.rel @p0 .LBB2_1-.Ltmp1, $4  }
0x114: {  	[hbm:s7], [sflag:s6] =	dma.local [spmem:s11], $0x30E0  }
0x115: {  	_ =	swait.ge [sflag:s12], $0x30E0  }
0x116: {  	[sflag:s12] =	ssyncset.done $0x0  }
0x117: {  	[sflag:s12] =	ssyncadd.s32 $0xFFFFCF20  }
0x118: {  	_ =	sfence.sel $0x180000  }
0x119: {  	[bflag:$0x0] =	sbarrier.arrive $0xFFFF  }
0x11a: {  	p0 =	sne.s32 s2, $0x0;
	_ =	strace $0x90000047  }
0x11b: {  	s0 =	sadd.s32 @!p0 $0x100000, s0;
	[bflag:$0x2] =	sbarrier.arrive $0xFFFF  }
0x11c: {  	[sflag:s0] =	ssyncadd.tile.s32 @!p0 $0x1;
	_ =	shalt  }
.Lfunc_end2:
_tile_overlayer_lowered:
.L_overlay_start_2:
0x11d: {  	(tag) =	ssettag $0x2  }
0x11e: {  	s0 =	rddreg [dreg:$0x0];
	s2 =	stileid.u32  }
0x11f: {  	s1 =	rddreg [dreg:$0x1];
	p0 =	sne.s32 s2, $0x0  }
0x120: {  	s3 =	rddreg [dreg:$0x2];
	[bflag:$0x3] =	sbarrier.arrive $0xFFFF;
	s2 =	simm.s32 @!p0 $0x1C03  }
0x121: {  	[timem:s3], [sflag:s2] =	dma.local @!p0 [hbm:s0], s1  }
0x122: {  	s0 =	simm.s32 @!p0 $0x3  }
0x123: {  	_ =	swait.ge @!p0 [sflag:s0], s1  }
0x124: {  	s1 =	ssub.s32 @!p0 $0x0, s1;
	[sflag:s0] =	ssyncset.done @!p0 $0x0  }
0x125: {  	[sflag:s0] =	ssyncadd.s32 @!p0 s1  }
0x126: {  	[bflag:$0x3] =	sbarrier.arrive $0xFFFF  }
0x127: {  	_ =	shalt  }

</sc_bundles>
